<compile_context>
chip_gen: v7x
topology: tpu7x:2x2x1
jax: 0.10.2.dev20260603
libtpu: 0.0.44.dev20260713+nightly
codegen_flags: <defaults>
</compile_context>

<pallas_src>
import functools

import jax
import jax.numpy as jnp
from jax import lax
from jax.experimental import pallas as pl
from jax.experimental.pallas import tpu as pltpu
from jax.experimental.pallas import tpu_sc as plsc

_F, _V, _D, _B = 26, 100000, 16, 16384
_CHUNK = 2048


def _sc_plane_gather(embT, linP, xT):
    mesh = plsc.VectorSubcoreMesh(core_axis_name="c", subcore_axis_name="s")

    @functools.partial(
        pl.kernel,
        out_type=(
            jax.ShapeDtypeStruct((52, 8, _B), jnp.float32),
            jax.ShapeDtypeStruct((4, 8, _B), jnp.float32),
        ),
        mesh=mesh,
        scratch_types=[
            pltpu.VMEM((_V,), jnp.float32),
            pltpu.VMEM((_CHUNK,), jnp.int32),
            pltpu.VMEM((_CHUNK,), jnp.int32),
            pltpu.VMEM((_CHUNK,), jnp.float32),
            pltpu.VMEM((_CHUNK,), jnp.float32),
            pltpu.SemaphoreType.DMA,
            pltpu.SemaphoreType.DMA,
            pltpu.SemaphoreType.DMA,
            pltpu.SemaphoreType.DMA,
        ],
        compiler_params=pltpu.CompilerParams(
            use_tc_tiling_on_sc=True, needs_layout_passes=False),
    )
    def k(embT_hbm, lin_hbm, xT_hbm, oe_hbm, ol_hbm, plane_v, idx_a, idx_b,
          out_a, out_b, si0, si1, so0, so1):
        cid = lax.axis_index("c")
        sid = lax.axis_index("s")
        half = sid // 8
        lane8 = sid % 8
        nch = _B // _CHUNK
        isem = (si0, si1)
        osem = (so0, so1)
        ibuf = (idx_a, idx_b)
        obuf = (out_a, out_b)

        def gather_plane(f, out_row, plane_src):
            pltpu.async_copy(xT_hbm.at[f, pl.ds(0, _CHUNK)], idx_a, si0)
            pltpu.sync_copy(plane_src, plane_v)
            for h in range(nch):
                p = h % 2
                ip = ibuf[p]
                op = obuf[p]
                pltpu.make_async_copy(
                    xT_hbm.at[f, pl.ds(h * _CHUNK, _CHUNK)], ip,
                    isem[p]).wait()
                if h + 1 < nch:
                    pn = (h + 1) % 2
                    pltpu.async_copy(
                        xT_hbm.at[f, pl.ds((h + 1) * _CHUNK, _CHUNK)],
                        ibuf[pn], isem[pn])
                if h >= 2:
                    pltpu.make_async_copy(
                        op, out_row.at[pl.ds((h - 2) * _CHUNK, _CHUNK)],
                        osem[p]).wait()

                @pl.loop(0, _CHUNK // 16)
                def _(i):
                    vals = plsc.load_gather(
                        plane_v, [ip[pl.ds(i * 16, 16)]])
                    op[pl.ds(i * 16, 16)] = vals

                pltpu.async_copy(
                    op, out_row.at[pl.ds(h * _CHUNK, _CHUNK)], osem[p])
            for h in (nch - 2, nch - 1):
                p = h % 2
                pltpu.make_async_copy(
                    obuf[p], out_row.at[pl.ds(h * _CHUNK, _CHUNK)],
                    osem[p]).wait()

        @pl.loop(0, 13)
        def _(r):
            group = cid * 26 + r * 2 + half
            p = group * 8 + lane8
            f = p // _D
            dd = p % _D
            gather_plane(f, oe_hbm.at[group, lane8], embT_hbm.at[f, dd])

        group = cid * 2 + half
        f = group * 8 + lane8

        @pl.when(f < _F)
        def _():
            gather_plane(f, ol_hbm.at[group, lane8], lin_hbm.at[f])

        @pl.when(f >= _F)
        def _():
            @pl.loop(0, _CHUNK // 16)
            def _(i):
                out_a[pl.ds(i * 16, 16)] = jnp.zeros((16,), jnp.float32)

            @pl.loop(0, _B // _CHUNK)
            def _(h):
                pltpu.sync_copy(
                    out_a,
                    ol_hbm.at[group, lane8, pl.ds(h * _CHUNK, _CHUNK)])

    return k(embT, linP, xT)


def _dense_body(xe_ref, lt_ref, w1t_ref, b1_ref, w2t_ref, b2_ref, w3t_ref,
                bb_ref, st_ref, o_ref):
    xeT = xe_ref[...]
    lin_sum = jnp.sum(lt_ref[...], axis=0, keepdims=True)
    sT = jnp.dot(st_ref[...], xeT, preferred_element_type=jnp.float32)
    fm = 0.5 * (jnp.sum(sT * sT, axis=0, keepdims=True)
                - jnp.sum(xeT * xeT, axis=0, keepdims=True))
    h = jnp.dot(w1t_ref[...], xeT, preferred_element_type=jnp.float32)
    h = jnp.maximum(h + b1_ref[...], 0.0)
    h = jnp.dot(w2t_ref[...], h, preferred_element_type=jnp.float32)
    h = jnp.maximum(h + b2_ref[...], 0.0)
    deep = jnp.dot(w3t_ref[...], h, preferred_element_type=jnp.float32)
    o_ref[...] = jax.nn.sigmoid(lin_sum + fm + deep + bb_ref[...])


def _dense(xeT, linT, w1t, b1c, w2t, b2c, w3t, bb, sT, bs):
    grid = (_B // bs,)
    full = lambda a: pl.BlockSpec(a.shape, lambda i: (0, 0))
    return pl.pallas_call(
        _dense_body,
        grid=grid,
        in_specs=[
            pl.BlockSpec((416, bs), lambda i: (0, i)),
            pl.BlockSpec((32, bs), lambda i: (0, i)),
            full(w1t), full(b1c), full(w2t), full(b2c), full(w3t),
            full(bb), full(sT),
        ],
        out_specs=pl.BlockSpec((1, bs), lambda i: (0, i)),
        out_shape=jax.ShapeDtypeStruct((1, _B), jnp.float32),
    )(xeT, linT, w1t, b1c, w2t, b2c, w3t, bb, sT)


def kernel(x, emb_tables, lin_tables, linear_bias, W1, b1, W2, b2, W3, b3):
    embT = jnp.transpose(emb_tables, (0, 2, 1))
    linP = jnp.transpose(lin_tables, (0, 2, 1))[:, 0, :]
    xT = x.T

    xeT4, linT4 = _sc_plane_gather(embT, linP, xT)
    xeT = xeT4.reshape(416, _B)
    linT = linT4.reshape(32, _B)

    sT = jnp.tile(jnp.eye(_D, dtype=jnp.float32), (1, _F))
    bb = (b3 + linear_bias).reshape(1, 1)
    out = _dense(xeT, linT, W1.T, b1.reshape(-1, 1), W2.T, b2.reshape(-1, 1),
                 W3.T, bb, sT, bs=4096)
    return out.reshape(_B, 1)

# --- scband reference (transcript-rebuilt; emitter-appended) ---
"""Pipeline reference for scband-deep-fm-47167330845265 (READ-ONLY COPY).

The authoritative reference and input builder live on the scoring server;
editing this copy changes nothing except your own understanding.
"""

import jax, jax.numpy as jnp
import numpy as np

NUM_FIELDS = 26
VOCAB = 100000
EMBED_DIM = 16
BATCH = 16384
DEEP_IN = NUM_FIELDS * EMBED_DIM


def setup_inputs(seed: int = 0) -> dict:
    key = jax.random.key(seed)
    ks = jax.random.split(key, 8)
    x = jax.random.randint(ks[0], (BATCH, NUM_FIELDS), 0, VOCAB, dtype=jnp.int32)
    emb_tables = jax.random.normal(ks[1], (NUM_FIELDS, VOCAB, EMBED_DIM), dtype=jnp.float32) * 0.01
    lin_tables = jax.random.normal(ks[2], (NUM_FIELDS, VOCAB, 1), dtype=jnp.float32) * 0.01
    linear_bias = jnp.zeros((1,), dtype=jnp.float32)
    W1 = jax.random.normal(ks[3], (DEEP_IN, 128), dtype=jnp.float32) * (1.0 / np.sqrt(DEEP_IN))
    b1 = jnp.zeros((128,), dtype=jnp.float32)
    W2 = jax.random.normal(ks[4], (128, 64), dtype=jnp.float32) * (1.0 / np.sqrt(128))
    b2 = jnp.zeros((64,), dtype=jnp.float32)
    W3 = jax.random.normal(ks[5], (64, 1), dtype=jnp.float32) * (1.0 / np.sqrt(64))
    b3 = jnp.zeros((1,), dtype=jnp.float32)
    return {"x": x, "emb_tables": emb_tables, "lin_tables": lin_tables,
            "linear_bias": linear_bias, "W1": W1, "b1": b1, "W2": W2, "b2": b2,
            "W3": W3, "b3": b3}


def reference(x, emb_tables, lin_tables, linear_bias, W1, b1, W2, b2, W3, b3):
    batch = x.shape[0]
    # per-field gather: emb_tables[f][x[:, f]] -> [B, F, D]
    gather = lambda table, idx: jnp.take(table, idx, axis=0)
    x_embed = jax.vmap(gather, in_axes=(0, 1), out_axes=1)(emb_tables, x)   # [B, F, D]
    lin_embed = jax.vmap(gather, in_axes=(0, 1), out_axes=1)(lin_tables, x)  # [B, F, 1]
    # linear part
    linear_part = jnp.sum(lin_embed.reshape(batch, -1), axis=1, keepdims=True) + linear_bias
    # FM second-order part
    sum_of_embeddings = jnp.sum(x_embed, axis=1)                 # [B, D]
    sum_square = sum_of_embeddings * sum_of_embeddings           # [B, D]
    square_sum = jnp.sum(x_embed * x_embed, axis=1)              # [B, D]
    fm_part = 0.5 * jnp.sum(sum_square - square_sum, axis=1, keepdims=True)  # [B, 1]
    # deep part (dropout is identity in eval mode)
    h = x_embed.reshape(batch, -1)
    h = jax.nn.relu(h @ W1 + b1)
    h = jax.nn.relu(h @ W2 + b2)
    deep_out = h @ W3 + b3
    total_sum = linear_part + fm_part + deep_out
    return jax.nn.sigmoid(total_sum)

if __name__ == "__main__":
    import jax
    _d = setup_inputs()
    print(jax.jit(kernel)(*tuple(_d.values())))

</pallas_src>

<mosaic_0001>
#map = affine_map<(d0, d1) -> (0, 0, 0)>
#map1 = affine_map<(d0, d1) -> (0, 0)>
module attributes {stable_mosaic.version = 14 : i64} {
  func.func @k(%arg0: i32, %arg1: i32, %arg2: memref<26x16x100000xf32, #tpu.memory_space<hbm>>, %arg3: memref<26x100000xf32, #tpu.memory_space<hbm>>, %arg4: memref<26x16384xi32, #tpu.memory_space<hbm>>, %arg5: memref<52x8x16384xf32, #tpu.memory_space<hbm>>, %arg6: memref<4x8x16384xf32, #tpu.memory_space<hbm>>, %arg7: memref<100000xf32, #tpu.memory_space<vmem>>, %arg8: memref<2048xi32, #tpu.memory_space<vmem>>, %arg9: memref<2048xi32, #tpu.memory_space<vmem>>, %arg10: memref<2048xf32, #tpu.memory_space<vmem>>, %arg11: memref<2048xf32, #tpu.memory_space<vmem>>, %arg12: memref<!tpu.dma_semaphore, #tpu.memory_space<semaphore_mem>>, %arg13: memref<!tpu.dma_semaphore, #tpu.memory_space<semaphore_mem>>, %arg14: memref<!tpu.dma_semaphore, #tpu.memory_space<semaphore_mem>>, %arg15: memref<!tpu.dma_semaphore, #tpu.memory_space<semaphore_mem>>) attributes {dimension_semantics = [#tpu.dimension_semantics<core_parallel>, #tpu.dimension_semantics<subcore_parallel>], iteration_bounds = array<i64: 2, 16>, scalar_prefetch = 0 : i64, scratch_operands = 9 : i64, tpu.core_type = #tpu.core_type<sc_vector_subcore>, window_params = [{transform_indices = #map}, {transform_indices = #map1}, {transform_indices = #map1}, {transform_indices = #map}, {transform_indices = #map}]} {
    %jit3A = arith.constant 8 : i32
    %div3A = arith.divsi %arg1, %jit3A : i32
    %sign3A = arith.constant 0 : i32
    %sign3A_0 = arith.cmpi sgt, %arg1, %sign3A : i32
    %sign3A_1 = arith.extui %sign3A_0 : i1 to i32
    %sign3A_2 = arith.constant 0 : i32
    %sign3A_3 = arith.cmpi slt, %arg1, %sign3A_2 : i32
    %sign3A_4 = arith.extui %sign3A_3 : i1 to i32
    %sign3A_5 = arith.subi %sign3A_1, %sign3A_4 : i32
    %sign3A_6 = arith.constant 0 : i32
    %sign3A_7 = arith.cmpi sgt, %jit3A, %sign3A_6 : i32
    %sign3A_8 = arith.extui %sign3A_7 : i1 to i32
    %sign3A_9 = arith.constant 0 : i32
    %sign3A_10 = arith.cmpi slt, %jit3A, %sign3A_9 : i32
    %sign3A_11 = arith.extui %sign3A_10 : i1 to i32
    %sign3A_12 = arith.subi %sign3A_8, %sign3A_11 : i32
    %ne3A = arith.cmpi ne, %sign3A_5, %sign3A_12 : i32
    %rem3A = arith.remsi %arg1, %jit3A : i32
    %ne3A_13 = arith.constant 0 : i32
    %ne3A_14 = arith.cmpi ne, %rem3A, %ne3A_13 : i32
    %and3A = arith.andi %ne3A, %ne3A_14 : i1
    %sub3A = arith.constant 1 : i32
    %sub3A_15 = arith.subi %div3A, %sub3A : i32
    %select_n3A = arith.select %and3A, %sub3A_15, %div3A : i32
    %jit3A_16 = arith.constant 8 : i32
    %eq3A = arith.constant 0 : i32
    %eq3A_17 = arith.cmpi eq, %jit3A_16, %eq3A : i32
    %jit3A_18 = arith.constant 1 : i32
    %select_n3A_19 = arith.select %eq3A_17, %jit3A_18, %jit3A_16 : i32
    %rem3A_20 = arith.remsi %arg1, %select_n3A_19 : i32
    %ne3A_21 = arith.constant 0 : i32
    %ne3A_22 = arith.cmpi ne, %rem3A_20, %ne3A_21 : i32
    %lt3A = arith.constant 0 : i32
    %lt3A_23 = arith.cmpi slt, %rem3A_20, %lt3A : i32
    %lt3A_24 = arith.constant 0 : i32
    %lt3A_25 = arith.cmpi slt, %select_n3A_19, %lt3A_24 : i32
    %ne3A_26 = arith.xori %lt3A_23, %lt3A_25 : i1
    %and3A_27 = arith.andi %ne3A_26, %ne3A_22 : i1
    %add3A = arith.addi %rem3A_20, %select_n3A_19 : i32
    %select_n3A_28 = arith.select %and3A_27, %add3A, %rem3A_20 : i32
    %scan3A = arith.constant 0 : i32
    %scan3A_29 = arith.constant 13 : i32
    %scan3A_30 = arith.addi %scan3A, %scan3A_29 : i32
    %scan3A_31 = arith.constant 1 : i32
    scf.for %scan3A_45 = %scan3A to %scan3A_30 step %scan3A_31  : i32 {
      %mul3A_46 = arith.constant 1 : i32
      %mul3A_47 = arith.muli %scan3A_45, %mul3A_46 : i32
      %add3A_48 = arith.constant 0 : i32
      %add3A_49 = arith.addi %add3A_48, %mul3A_47 : i32
      %mul3A_50 = arith.constant 26 : i32
      %mul3A_51 = arith.muli %arg0, %mul3A_50 : i32
      %mul3A_52 = arith.constant 2 : i32
      %mul3A_53 = arith.muli %add3A_49, %mul3A_52 : i32
      %add3A_54 = arith.addi %mul3A_51, %mul3A_53 : i32
      %add3A_55 = arith.addi %add3A_54, %select_n3A : i32
      %mul3A_56 = arith.constant 8 : i32
      %mul3A_57 = arith.muli %add3A_55, %mul3A_56 : i32
      %add3A_58 = arith.addi %mul3A_57, %select_n3A_28 : i32
      %jit3A_59 = arith.constant 16 : i32
      %div3A_60 = arith.divsi %add3A_58, %jit3A_59 : i32
      %sign3A_61 = arith.constant 0 : i32
      %sign3A_62 = arith.cmpi sgt, %add3A_58, %sign3A_61 : i32
      %sign3A_63 = arith.extui %sign3A_62 : i1 to i32
      %sign3A_64 = arith.constant 0 : i32
      %sign3A_65 = arith.cmpi slt, %add3A_58, %sign3A_64 : i32
      %sign3A_66 = arith.extui %sign3A_65 : i1 to i32
      %sign3A_67 = arith.subi %sign3A_63, %sign3A_66 : i32
      %sign3A_68 = arith.constant 0 : i32
      %sign3A_69 = arith.cmpi sgt, %jit3A_59, %sign3A_68 : i32
      %sign3A_70 = arith.extui %sign3A_69 : i1 to i32
      %sign3A_71 = arith.constant 0 : i32
      %sign3A_72 = arith.cmpi slt, %jit3A_59, %sign3A_71 : i32
      %sign3A_73 = arith.extui %sign3A_72 : i1 to i32
      %sign3A_74 = arith.subi %sign3A_70, %sign3A_73 : i32
      %ne3A_75 = arith.cmpi ne, %sign3A_67, %sign3A_74 : i32
      %rem3A_76 = arith.remsi %add3A_58, %jit3A_59 : i32
      %ne3A_77 = arith.constant 0 : i32
      %ne3A_78 = arith.cmpi ne, %rem3A_76, %ne3A_77 : i32
      %and3A_79 = arith.andi %ne3A_75, %ne3A_78 : i1
      %sub3A_80 = arith.constant 1 : i32
      %sub3A_81 = arith.subi %div3A_60, %sub3A_80 : i32
      %select_n3A_82 = arith.select %and3A_79, %sub3A_81, %div3A_60 : i32
      %jit3A_83 = arith.constant 16 : i32
      %eq3A_84 = arith.constant 0 : i32
      %eq3A_85 = arith.cmpi eq, %jit3A_83, %eq3A_84 : i32
      %jit3A_86 = arith.constant 1 : i32
      %select_n3A_87 = arith.select %eq3A_85, %jit3A_86, %jit3A_83 : i32
      %rem3A_88 = arith.remsi %add3A_58, %select_n3A_87 : i32
      %ne3A_89 = arith.constant 0 : i32
      %ne3A_90 = arith.cmpi ne, %rem3A_88, %ne3A_89 : i32
      %lt3A_91 = arith.constant 0 : i32
      %lt3A_92 = arith.cmpi slt, %rem3A_88, %lt3A_91 : i32
      %lt3A_93 = arith.constant 0 : i32
      %lt3A_94 = arith.cmpi slt, %select_n3A_87, %lt3A_93 : i32
      %ne3A_95 = arith.xori %lt3A_92, %lt3A_94 : i1
      %and3A_96 = arith.andi %ne3A_95, %ne3A_90 : i1
      %add3A_97 = arith.addi %rem3A_88, %select_n3A_87 : i32
      %select_n3A_98 = arith.select %and3A_96, %add3A_97, %rem3A_88 : i32
      %dma_start3A = arith.constant 0 : i32
      %dma_start3A_99 = tpu.memref_slice %arg4[%select_n3A_82, %dma_start3A] : memref<26x16384xi32, #tpu.memory_space<hbm>> -> memref<1x2048xi32, #tpu.memory_space<hbm>>
      %dma_start3A_100 = tpu.memref_squeeze %dma_start3A_99 : memref<1x2048xi32, #tpu.memory_space<hbm>> -> memref<2048xi32, #tpu.memory_space<hbm>>
      %dma_start3A_101 = arith.constant 0 : i32
      %dma_start3A_102 = tpu.memref_slice %arg4[%select_n3A_82, %dma_start3A_101] : memref<26x16384xi32, #tpu.memory_space<hbm>> -> memref<1x2048xi32, #tpu.memory_space<hbm>>
      %dma_start3A_103 = tpu.memref_squeeze %dma_start3A_102 : memref<1x2048xi32, #tpu.memory_space<hbm>> -> memref<2048xi32, #tpu.memory_space<hbm>>
      tpu.enqueue_dma source(%dma_start3A_103 : memref<2048xi32, #tpu.memory_space<hbm>>) target(%arg8 : memref<2048xi32, #tpu.memory_space<vmem>>) target_semaphore(%arg12 : memref<!tpu.dma_semaphore, #tpu.memory_space<semaphore_mem>>)
      "tpu.region"() ({
        %run_scoped3A = tpu.sem_alloc : memref<!tpu.dma_semaphore, #tpu.memory_space<semaphore_mem>>
        %dma_start3A_393 = arith.constant 0 : i32
        %dma_start3A_394 = tpu.memref_slice %arg2[%select_n3A_82, %select_n3A_98, %dma_start3A_393] : memref<26x16x100000xf32, #tpu.memory_space<hbm>> -> memref<1x1x100000xf32, #tpu.memory_space<hbm>>
        %dma_start3A_395 = tpu.memref_squeeze %dma_start3A_394 : memref<1x1x100000xf32, #tpu.memory_space<hbm>> -> memref<100000xf32, #tpu.memory_space<hbm>>
        %dma_start3A_396 = arith.constant 0 : i32
        %dma_start3A_397 = tpu.memref_slice %arg2[%select_n3A_82, %select_n3A_98, %dma_start3A_396] : memref<26x16x100000xf32, #tpu.memory_space<hbm>> -> memref<1x1x100000xf32, #tpu.memory_space<hbm>>
        %dma_start3A_398 = tpu.memref_squeeze %dma_start3A_397 : memref<1x1x100000xf32, #tpu.memory_space<hbm>> -> memref<100000xf32, #tpu.memory_space<hbm>>
        tpu.enqueue_dma source(%dma_start3A_398 : memref<100000xf32, #tpu.memory_space<hbm>>) target(%arg7 : memref<100000xf32, #tpu.memory_space<vmem>>) target_semaphore(%run_scoped3A : memref<!tpu.dma_semaphore, #tpu.memory_space<semaphore_mem>>)
        %dma_wait3A_399 = arith.constant 0 : i32
        %dma_wait3A_400 = tpu.memref_slice %arg2[%select_n3A_82, %select_n3A_98, %dma_wait3A_399] : memref<26x16x100000xf32, #tpu.memory_space<hbm>> -> memref<1x1x100000xf32, #tpu.memory_space<hbm>>
        %dma_wait3A_401 = tpu.memref_squeeze %dma_wait3A_400 : memref<1x1x100000xf32, #tpu.memory_space<hbm>> -> memref<100000xf32, #tpu.memory_space<hbm>>
        %dma_wait3A_402 = arith.constant 0 : i32
        %dma_wait3A_403 = tpu.memref_slice %arg2[%select_n3A_82, %select_n3A_98, %dma_wait3A_402] : memref<26x16x100000xf32, #tpu.memory_space<hbm>> -> memref<1x1x100000xf32, #tpu.memory_space<hbm>>
        %dma_wait3A_404 = tpu.memref_squeeze %dma_wait3A_403 : memref<1x1x100000xf32, #tpu.memory_space<hbm>> -> memref<100000xf32, #tpu.memory_space<hbm>>
        tpu.wait_dma2 semaphore(%run_scoped3A : memref<!tpu.dma_semaphore, #tpu.memory_space<semaphore_mem>>) src(%dma_wait3A_404 : memref<100000xf32, #tpu.memory_space<hbm>>) dst(%arg7 : memref<100000xf32, #tpu.memory_space<vmem>>)
        tpu.yield
      }) : () -> ()
      %dma_wait3A = arith.constant 0 : i32
      %dma_wait3A_104 = tpu.memref_slice %arg4[%select_n3A_82, %dma_wait3A] : memref<26x16384xi32, #tpu.memory_space<hbm>> -> memref<1x2048xi32, #tpu.memory_space<hbm>>
      %dma_wait3A_105 = tpu.memref_squeeze %dma_wait3A_104 : memref<1x2048xi32, #tpu.memory_space<hbm>> -> memref<2048xi32, #tpu.memory_space<hbm>>
      %dma_wait3A_106 = arith.constant 0 : i32
      %dma_wait3A_107 = tpu.memref_slice %arg4[%select_n3A_82, %dma_wait3A_106] : memref<26x16384xi32, #tpu.memory_space<hbm>> -> memref<1x2048xi32, #tpu.memory_space<hbm>>
      %dma_wait3A_108 = tpu.memref_squeeze %dma_wait3A_107 : memref<1x2048xi32, #tpu.memory_space<hbm>> -> memref<2048xi32, #tpu.memory_space<hbm>>
      tpu.wait_dma2 semaphore(%arg12 : memref<!tpu.dma_semaphore, #tpu.memory_space<semaphore_mem>>) src(%dma_wait3A_108 : memref<2048xi32, #tpu.memory_space<hbm>>) dst(%arg8 : memref<2048xi32, #tpu.memory_space<vmem>>)
      %dma_start3A_109 = arith.constant 2048 : i32
      %dma_start3A_110 = tpu.memref_slice %arg4[%select_n3A_82, %dma_start3A_109] : memref<26x16384xi32, #tpu.memory_space<hbm>> -> memref<1x2048xi32, #tpu.memory_space<hbm>>
      %dma_start3A_111 = tpu.memref_squeeze %dma_start3A_110 : memref<1x2048xi32, #tpu.memory_space<hbm>> -> memref<2048xi32, #tpu.memory_space<hbm>>
      %dma_start3A_112 = arith.constant 2048 : i32
      %dma_start3A_113 = tpu.memref_slice %arg4[%select_n3A_82, %dma_start3A_112] : memref<26x16384xi32, #tpu.memory_space<hbm>> -> memref<1x2048xi32, #tpu.memory_space<hbm>>
      %dma_start3A_114 = tpu.memref_squeeze %dma_start3A_113 : memref<1x2048xi32, #tpu.memory_space<hbm>> -> memref<2048xi32, #tpu.memory_space<hbm>>
      tpu.enqueue_dma source(%dma_start3A_114 : memref<2048xi32, #tpu.memory_space<hbm>>) target(%arg9 : memref<2048xi32, #tpu.memory_space<vmem>>) target_semaphore(%arg13 : memref<!tpu.dma_semaphore, #tpu.memory_space<semaphore_mem>>)
      %scan3A_115 = arith.constant 0 : i32
      %scan3A_116 = arith.constant 128 : i32
      %scan3A_117 = arith.addi %scan3A_115, %scan3A_116 : i32
      %scan3A_118 = arith.constant 1 : i32
      scf.for %scan3A_393 = %scan3A_115 to %scan3A_117 step %scan3A_118  : i32 {
        %mul3A_394 = arith.constant 1 : i32
        %mul3A_395 = arith.muli %scan3A_393, %mul3A_394 : i32
        %add3A_396 = arith.constant 0 : i32
        %add3A_397 = arith.addi %add3A_396, %mul3A_395 : i32
        %mul3A_398 = arith.constant 16 : i32
        %mul3A_399 = arith.muli %add3A_397, %mul3A_398 : i32
        %get3A = arith.index_cast %mul3A_399 : i32 to index
        %get3A_400 = tpu.vector_load %arg8[%get3A] {strides = array<i32>} : memref<2048xi32, #tpu.memory_space<vmem>>, vector<16xi32>,
        %gather3A = tpu.vector_load_idx %arg7[%get3A_400] : memref<100000xf32, #tpu.memory_space<vmem>>[vector<16xi32>], vector<16xf32>,
        %mul3A_401 = arith.constant 16 : i32
        %mul3A_402 = arith.muli %add3A_397, %mul3A_401 : i32
        %swap3A = arith.index_cast %mul3A_402 : i32 to index
        %swap3A_403 = tpu.vector_load %arg10[%swap3A] {strides = array<i32>} : memref<2048xf32, #tpu.memory_space<vmem>>, vector<16xf32>,
        tpu.vector_store %arg10[%swap3A], %gather3A {strides = array<i32>} : memref<2048xf32, #tpu.memory_space<vmem>>, vector<16xf32>,
      }
      %scan3A_119 = arith.constant 128 : i32
      %dma_start3A_120 = arith.constant 0 : i32
      %dma_start3A_121 = tpu.memref_slice %arg5[%add3A_55, %select_n3A_28, %dma_start3A_120] : memref<52x8x16384xf32, #tpu.memory_space<hbm>> -> memref<1x1x16384xf32, #tpu.memory_space<hbm>>
      %dma_start3A_122 = tpu.memref_squeeze %dma_start3A_121 : memref<1x1x16384xf32, #tpu.memory_space<hbm>> -> memref<16384xf32, #tpu.memory_space<hbm>>
      %dma_start3A_123 = arith.constant 0 : i32
      %dma_start3A_124 = tpu.memref_slice %dma_start3A_122[%dma_start3A_123] : memref<16384xf32, #tpu.memory_space<hbm>> -> memref<2048xf32, #tpu.memory_space<hbm>>
      %dma_start3A_125 = arith.constant 0 : i32
      %dma_start3A_126 = tpu.memref_slice %arg5[%add3A_55, %select_n3A_28, %dma_start3A_125] : memref<52x8x16384xf32, #tpu.memory_space<hbm>> -> memref<1x1x16384xf32, #tpu.memory_space<hbm>>
      %dma_start3A_127 = tpu.memref_squeeze %dma_start3A_126 : memref<1x1x16384xf32, #tpu.memory_space<hbm>> -> memref<16384xf32, #tpu.memory_space<hbm>>
      %dma_start3A_128 = arith.constant 0 : i32
      %dma_start3A_129 = tpu.memref_slice %dma_start3A_127[%dma_start3A_128] : memref<16384xf32, #tpu.memory_space<hbm>> -> memref<2048xf32, #tpu.memory_space<hbm>>
      tpu.enqueue_dma source(%arg10 : memref<2048xf32, #tpu.memory_space<vmem>>) target(%dma_start3A_129 : memref<2048xf32, #tpu.memory_space<hbm>>) target_semaphore(%arg14 : memref<!tpu.dma_semaphore, #tpu.memory_space<semaphore_mem>>)
      %dma_wait3A_130 = arith.constant 2048 : i32
      %dma_wait3A_131 = tpu.memref_slice %arg4[%select_n3A_82, %dma_wait3A_130] : memref<26x16384xi32, #tpu.memory_space<hbm>> -> memref<1x2048xi32, #tpu.memory_space<hbm>>
      %dma_wait3A_132 = tpu.memref_squeeze %dma_wait3A_131 : memref<1x2048xi32, #tpu.memory_space<hbm>> -> memref<2048xi32, #tpu.memory_space<hbm>>
      %dma_wait3A_133 = arith.constant 2048 : i32
      %dma_wait3A_134 = tpu.memref_slice %arg4[%select_n3A_82, %dma_wait3A_133] : memref<26x16384xi32, #tpu.memory_space<hbm>> -> memref<1x2048xi32, #tpu.memory_space<hbm>>
      %dma_wait3A_135 = tpu.memref_squeeze %dma_wait3A_134 : memref<1x2048xi32, #tpu.memory_space<hbm>> -> memref<2048xi32, #tpu.memory_space<hbm>>
      tpu.wait_dma2 semaphore(%arg13 : memref<!tpu.dma_semaphore, #tpu.memory_space<semaphore_mem>>) src(%dma_wait3A_135 : memref<2048xi32, #tpu.memory_space<hbm>>) dst(%arg9 : memref<2048xi32, #tpu.memory_space<vmem>>)
      %dma_start3A_136 = arith.constant 4096 : i32
      %dma_start3A_137 = tpu.memref_slice %arg4[%select_n3A_82, %dma_start3A_136] : memref<26x16384xi32, #tpu.memory_space<hbm>> -> memref<1x2048xi32, #tpu.memory_space<hbm>>
      %dma_start3A_138 = tpu.memref_squeeze %dma_start3A_137 : memref<1x2048xi32, #tpu.memory_space<hbm>> -> memref<2048xi32, #tpu.memory_space<hbm>>
      %dma_start3A_139 = arith.constant 4096 : i32
      %dma_start3A_140 = tpu.memref_slice %arg4[%select_n3A_82, %dma_start3A_139] : memref<26x16384xi32, #tpu.memory_space<hbm>> -> memref<1x2048xi32, #tpu.memory_space<hbm>>
      %dma_start3A_141 = tpu.memref_squeeze %dma_start3A_140 : memref<1x2048xi32, #tpu.memory_space<hbm>> -> memref<2048xi32, #tpu.memory_space<hbm>>
      tpu.enqueue_dma source(%dma_start3A_141 : memref<2048xi32, #tpu.memory_space<hbm>>) target(%arg8 : memref<2048xi32, #tpu.memory_space<vmem>>) target_semaphore(%arg12 : memref<!tpu.dma_semaphore, #tpu.memory_space<semaphore_mem>>)
      %scan3A_142 = arith.constant 0 : i32
      %scan3A_143 = arith.constant 128 : i32
      %scan3A_144 = arith.addi %scan3A_142, %scan3A_143 : i32
      %scan3A_145 = arith.constant 1 : i32
      scf.for %scan3A_393 = %scan3A_142 to %scan3A_144 step %scan3A_145  : i32 {
        %mul3A_394 = arith.constant 1 : i32
        %mul3A_395 = arith.muli %scan3A_393, %mul3A_394 : i32
        %add3A_396 = arith.constant 0 : i32
        %add3A_397 = arith.addi %add3A_396, %mul3A_395 : i32
        %mul3A_398 = arith.constant 16 : i32
        %mul3A_399 = arith.muli %add3A_397, %mul3A_398 : i32
        %get3A = arith.index_cast %mul3A_399 : i32 to index
        %get3A_400 = tpu.vector_load %arg9[%get3A] {strides = array<i32>} : memref<2048xi32, #tpu.memory_space<vmem>>, vector<16xi32>,
        %gather3A = tpu.vector_load_idx %arg7[%get3A_400] : memref<100000xf32, #tpu.memory_space<vmem>>[vector<16xi32>], vector<16xf32>,
        %mul3A_401 = arith.constant 16 : i32
        %mul3A_402 = arith.muli %add3A_397, %mul3A_401 : i32
        %swap3A = arith.index_cast %mul3A_402 : i32 to index
        %swap3A_403 = tpu.vector_load %arg11[%swap3A] {strides = array<i32>} : memref<2048xf32, #tpu.memory_space<vmem>>, vector<16xf32>,
        tpu.vector_store %arg11[%swap3A], %gather3A {strides = array<i32>} : memref<2048xf32, #tpu.memory_space<vmem>>, vector<16xf32>,
      }
      %scan3A_146 = arith.constant 128 : i32
      %dma_start3A_147 = arith.constant 0 : i32
      %dma_start3A_148 = tpu.memref_slice %arg5[%add3A_55, %select_n3A_28, %dma_start3A_147] : memref<52x8x16384xf32, #tpu.memory_space<hbm>> -> memref<1x1x16384xf32, #tpu.memory_space<hbm>>
      %dma_start3A_149 = tpu.memref_squeeze %dma_start3A_148 : memref<1x1x16384xf32, #tpu.memory_space<hbm>> -> memref<16384xf32, #tpu.memory_space<hbm>>
      %dma_start3A_150 = arith.constant 2048 : i32
      %dma_start3A_151 = tpu.memref_slice %dma_start3A_149[%dma_start3A_150] : memref<16384xf32, #tpu.memory_space<hbm>> -> memref<2048xf32, #tpu.memory_space<hbm>>
      %dma_start3A_152 = arith.constant 0 : i32
      %dma_start3A_153 = tpu.memref_slice %arg5[%add3A_55, %select_n3A_28, %dma_start3A_152] : memref<52x8x16384xf32, #tpu.memory_space<hbm>> -> memref<1x1x16384xf32, #tpu.memory_space<hbm>>
      %dma_start3A_154 = tpu.memref_squeeze %dma_start3A_153 : memref<1x1x16384xf32, #tpu.memory_space<hbm>> -> memref<16384xf32, #tpu.memory_space<hbm>>
      %dma_start3A_155 = arith.constant 2048 : i32
      %dma_start3A_156 = tpu.memref_slice %dma_start3A_154[%dma_start3A_155] : memref<16384xf32, #tpu.memory_space<hbm>> -> memref<2048xf32, #tpu.memory_space<hbm>>
      tpu.enqueue_dma source(%arg11 : memref<2048xf32, #tpu.memory_space<vmem>>) target(%dma_start3A_156 : memref<2048xf32, #tpu.memory_space<hbm>>) target_semaphore(%arg15 : memref<!tpu.dma_semaphore, #tpu.memory_space<semaphore_mem>>)
      %dma_wait3A_157 = arith.constant 4096 : i32
      %dma_wait3A_158 = tpu.memref_slice %arg4[%select_n3A_82, %dma_wait3A_157] : memref<26x16384xi32, #tpu.memory_space<hbm>> -> memref<1x2048xi32, #tpu.memory_space<hbm>>
      %dma_wait3A_159 = tpu.memref_squeeze %dma_wait3A_158 : memref<1x2048xi32, #tpu.memory_space<hbm>> -> memref<2048xi32, #tpu.memory_space<hbm>>
      %dma_wait3A_160 = arith.constant 4096 : i32
      %dma_wait3A_161 = tpu.memref_slice %arg4[%select_n3A_82, %dma_wait3A_160] : memref<26x16384xi32, #tpu.memory_space<hbm>> -> memref<1x2048xi32, #tpu.memory_space<hbm>>
      %dma_wait3A_162 = tpu.memref_squeeze %dma_wait3A_161 : memref<1x2048xi32, #tpu.memory_space<hbm>> -> memref<2048xi32, #tpu.memory_space<hbm>>
      tpu.wait_dma2 semaphore(%arg12 : memref<!tpu.dma_semaphore, #tpu.memory_space<semaphore_mem>>) src(%dma_wait3A_162 : memref<2048xi32, #tpu.memory_space<hbm>>) dst(%arg8 : memref<2048xi32, #tpu.memory_space<vmem>>)
      %dma_start3A_163 = arith.constant 6144 : i32
      %dma_start3A_164 = tpu.memref_slice %arg4[%select_n3A_82, %dma_start3A_163] : memref<26x16384xi32, #tpu.memory_space<hbm>> -> memref<1x2048xi32, #tpu.memory_space<hbm>>
      %dma_start3A_165 = tpu.memref_squeeze %dma_start3A_164 : memref<1x2048xi32, #tpu.memory_space<hbm>> -> memref<2048xi32, #tpu.memory_space<hbm>>
      %dma_start3A_166 = arith.constant 6144 : i32
      %dma_start3A_167 = tpu.memref_slice %arg4[%select_n3A_82, %dma_start3A_166] : memref<26x16384xi32, #tpu.memory_space<hbm>> -> memref<1x2048xi32, #tpu.memory_space<hbm>>
      %dma_start3A_168 = tpu.memref_squeeze %dma_start3A_167 : memref<1x2048xi32, #tpu.memory_space<hbm>> -> memref<2048xi32, #tpu.memory_space<hbm>>
      tpu.enqueue_dma source(%dma_start3A_168 : memref<2048xi32, #tpu.memory_space<hbm>>) target(%arg9 : memref<2048xi32, #tpu.memory_space<vmem>>) target_semaphore(%arg13 : memref<!tpu.dma_semaphore, #tpu.memory_space<semaphore_mem>>)
      %dma_wait3A_169 = arith.constant 0 : i32
      %dma_wait3A_170 = tpu.memref_slice %arg5[%add3A_55, %select_n3A_28, %dma_wait3A_169] : memref<52x8x16384xf32, #tpu.memory_space<hbm>> -> memref<1x1x16384xf32, #tpu.memory_space<hbm>>
      %dma_wait3A_171 = tpu.memref_squeeze %dma_wait3A_170 : memref<1x1x16384xf32, #tpu.memory_space<hbm>> -> memref<16384xf32, #tpu.memory_space<hbm>>
      %dma_wait3A_172 = arith.constant 0 : i32
      %dma_wait3A_173 = tpu.memref_slice %dma_wait3A_171[%dma_wait3A_172] : memref<16384xf32, #tpu.memory_space<hbm>> -> memref<2048xf32, #tpu.memory_space<hbm>>
      %dma_wait3A_174 = arith.constant 0 : i32
      %dma_wait3A_175 = tpu.memref_slice %arg5[%add3A_55, %select_n3A_28, %dma_wait3A_174] : memref<52x8x16384xf32, #tpu.memory_space<hbm>> -> memref<1x1x16384xf32, #tpu.memory_space<hbm>>
      %dma_wait3A_176 = tpu.memref_squeeze %dma_wait3A_175 : memref<1x1x16384xf32, #tpu.memory_space<hbm>> -> memref<16384xf32, #tpu.memory_space<hbm>>
      %dma_wait3A_177 = arith.constant 0 : i32
      %dma_wait3A_178 = tpu.memref_slice %dma_wait3A_176[%dma_wait3A_177] : memref<16384xf32, #tpu.memory_space<hbm>> -> memref<2048xf32, #tpu.memory_space<hbm>>
      tpu.wait_dma2 semaphore(%arg14 : memref<!tpu.dma_semaphore, #tpu.memory_space<semaphore_mem>>) src(%arg10 : memref<2048xf32, #tpu.memory_space<vmem>>) dst(%dma_wait3A_178 : memref<2048xf32, #tpu.memory_space<hbm>>)
      %scan3A_179 = arith.constant 0 : i32
      %scan3A_180 = arith.constant 128 : i32
      %scan3A_181 = arith.addi %scan3A_179, %scan3A_180 : i32
      %scan3A_182 = arith.constant 1 : i32
      scf.for %scan3A_393 = %scan3A_179 to %scan3A_181 step %scan3A_182  : i32 {
        %mul3A_394 = arith.constant 1 : i32
        %mul3A_395 = arith.muli %scan3A_393, %mul3A_394 : i32
        %add3A_396 = arith.constant 0 : i32
        %add3A_397 = arith.addi %add3A_396, %mul3A_395 : i32
        %mul3A_398 = arith.constant 16 : i32
        %mul3A_399 = arith.muli %add3A_397, %mul3A_398 : i32
        %get3A = arith.index_cast %mul3A_399 : i32 to index
        %get3A_400 = tpu.vector_load %arg8[%get3A] {strides = array<i32>} : memref<2048xi32, #tpu.memory_space<vmem>>, vector<16xi32>,
        %gather3A = tpu.vector_load_idx %arg7[%get3A_400] : memref<100000xf32, #tpu.memory_space<vmem>>[vector<16xi32>], vector<16xf32>,
        %mul3A_401 = arith.constant 16 : i32
        %mul3A_402 = arith.muli %add3A_397, %mul3A_401 : i32
        %swap3A = arith.index_cast %mul3A_402 : i32 to index
        %swap3A_403 = tpu.vector_load %arg10[%swap3A] {strides = array<i32>} : memref<2048xf32, #tpu.memory_space<vmem>>, vector<16xf32>,
        tpu.vector_store %arg10[%swap3A], %gather3A {strides = array<i32>} : memref<2048xf32, #tpu.memory_space<vmem>>, vector<16xf32>,
      }
      %scan3A_183 = arith.constant 128 : i32
      %dma_start3A_184 = arith.constant 0 : i32
      %dma_start3A_185 = tpu.memref_slice %arg5[%add3A_55, %select_n3A_28, %dma_start3A_184] : memref<52x8x16384xf32, #tpu.memory_space<hbm>> -> memref<1x1x16384xf32, #tpu.memory_space<hbm>>
      %dma_start3A_186 = tpu.memref_squeeze %dma_start3A_185 : memref<1x1x16384xf32, #tpu.memory_space<hbm>> -> memref<16384xf32, #tpu.memory_space<hbm>>
      %dma_start3A_187 = arith.constant 4096 : i32
      %dma_start3A_188 = tpu.memref_slice %dma_start3A_186[%dma_start3A_187] : memref<16384xf32, #tpu.memory_space<hbm>> -> memref<2048xf32, #tpu.memory_space<hbm>>
      %dma_start3A_189 = arith.constant 0 : i32
      %dma_start3A_190 = tpu.memref_slice %arg5[%add3A_55, %select_n3A_28, %dma_start3A_189] : memref<52x8x16384xf32, #tpu.memory_space<hbm>> -> memref<1x1x16384xf32, #tpu.memory_space<hbm>>
      %dma_start3A_191 = tpu.memref_squeeze %dma_start3A_190 : memref<1x1x16384xf32, #tpu.memory_space<hbm>> -> memref<16384xf32, #tpu.memory_space<hbm>>
      %dma_start3A_192 = arith.constant 4096 : i32
      %dma_start3A_193 = tpu.memref_slice %dma_start3A_191[%dma_start3A_192] : memref<16384xf32, #tpu.memory_space<hbm>> -> memref<2048xf32, #tpu.memory_space<hbm>>
      tpu.enqueue_dma source(%arg10 : memref<2048xf32, #tpu.memory_space<vmem>>) target(%dma_start3A_193 : memref<2048xf32, #tpu.memory_space<hbm>>) target_semaphore(%arg14 : memref<!tpu.dma_semaphore, #tpu.memory_space<semaphore_mem>>)
      %dma_wait3A_194 = arith.constant 6144 : i32
      %dma_wait3A_195 = tpu.memref_slice %arg4[%select_n3A_82, %dma_wait3A_194] : memref<26x16384xi32, #tpu.memory_space<hbm>> -> memref<1x2048xi32, #tpu.memory_space<hbm>>
      %dma_wait3A_196 = tpu.memref_squeeze %dma_wait3A_195 : memref<1x2048xi32, #tpu.memory_space<hbm>> -> memref<2048xi32, #tpu.memory_space<hbm>>
      %dma_wait3A_197 = arith.constant 6144 : i32
      %dma_wait3A_198 = tpu.memref_slice %arg4[%select_n3A_82, %dma_wait3A_197] : memref<26x16384xi32, #tpu.memory_space<hbm>> -> memref<1x2048xi32, #tpu.memory_space<hbm>>
      %dma_wait3A_199 = tpu.memref_squeeze %dma_wait3A_198 : memref<1x2048xi32, #tpu.memory_space<hbm>> -> memref<2048xi32, #tpu.memory_space<hbm>>
      tpu.wait_dma2 semaphore(%arg13 : memref<!tpu.dma_semaphore, #tpu.memory_space<semaphore_mem>>) src(%dma_wait3A_199 : memref<2048xi32, #tpu.memory_space<hbm>>) dst(%arg9 : memref<2048xi32, #tpu.memory_space<vmem>>)
      %dma_start3A_200 = arith.constant 8192 : i32
      %dma_start3A_201 = tpu.memref_slice %arg4[%select_n3A_82, %dma_start3A_200] : memref<26x16384xi32, #tpu.memory_space<hbm>> -> memref<1x2048xi32, #tpu.memory_space<hbm>>
      %dma_start3A_202 = tpu.memref_squeeze %dma_start3A_201 : memref<1x2048xi32, #tpu.memory_space<hbm>> -> memref<2048xi32, #tpu.memory_space<hbm>>
      %dma_start3A_203 = arith.constant 8192 : i32
      %dma_start3A_204 = tpu.memref_slice %arg4[%select_n3A_82, %dma_start3A_203] : memref<26x16384xi32, #tpu.memory_space<hbm>> -> memref<1x2048xi32, #tpu.memory_space<hbm>>
      %dma_start3A_205 = tpu.memref_squeeze %dma_start3A_204 : memref<1x2048xi32, #tpu.memory_space<hbm>> -> memref<2048xi32, #tpu.memory_space<hbm>>
      tpu.enqueue_dma source(%dma_start3A_205 : memref<2048xi32, #tpu.memory_space<hbm>>) target(%arg8 : memref<2048xi32, #tpu.memory_space<vmem>>) target_semaphore(%arg12 : memref<!tpu.dma_semaphore, #tpu.memory_space<semaphore_mem>>)
      %dma_wait3A_206 = arith.constant 0 : i32
      %dma_wait3A_207 = tpu.memref_slice %arg5[%add3A_55, %select_n3A_28, %dma_wait3A_206] : memref<52x8x16384xf32, #tpu.memory_space<hbm>> -> memref<1x1x16384xf32, #tpu.memory_space<hbm>>
      %dma_wait3A_208 = tpu.memref_squeeze %dma_wait3A_207 : memref<1x1x16384xf32, #tpu.memory_space<hbm>> -> memref<16384xf32, #tpu.memory_space<hbm>>
      %dma_wait3A_209 = arith.constant 2048 : i32
      %dma_wait3A_210 = tpu.memref_slice %dma_wait3A_208[%dma_wait3A_209] : memref<16384xf32, #tpu.memory_space<hbm>> -> memref<2048xf32, #tpu.memory_space<hbm>>
      %dma_wait3A_211 = arith.constant 0 : i32
      %dma_wait3A_212 = tpu.memref_slice %arg5[%add3A_55, %select_n3A_28, %dma_wait3A_211] : memref<52x8x16384xf32, #tpu.memory_space<hbm>> -> memref<1x1x16384xf32, #tpu.memory_space<hbm>>
      %dma_wait3A_213 = tpu.memref_squeeze %dma_wait3A_212 : memref<1x1x16384xf32, #tpu.memory_space<hbm>> -> memref<16384xf32, #tpu.memory_space<hbm>>
      %dma_wait3A_214 = arith.constant 2048 : i32
      %dma_wait3A_215 = tpu.memref_slice %dma_wait3A_213[%dma_wait3A_214] : memref<16384xf32, #tpu.memory_space<hbm>> -> memref<2048xf32, #tpu.memory_space<hbm>>
      tpu.wait_dma2 semaphore(%arg15 : memref<!tpu.dma_semaphore, #tpu.memory_space<semaphore_mem>>) src(%arg11 : memref<2048xf32, #tpu.memory_space<vmem>>) dst(%dma_wait3A_215 : memref<2048xf32, #tpu.memory_space<hbm>>)
      %scan3A_216 = arith.constant 0 : i32
      %scan3A_217 = arith.constant 128 : i32
      %scan3A_218 = arith.addi %scan3A_216, %scan3A_217 : i32
      %scan3A_219 = arith.constant 1 : i32
      scf.for %scan3A_393 = %scan3A_216 to %scan3A_218 step %scan3A_219  : i32 {
        %mul3A_394 = arith.constant 1 : i32
        %mul3A_395 = arith.muli %scan3A_393, %mul3A_394 : i32
        %add3A_396 = arith.constant 0 : i32
        %add3A_397 = arith.addi %add3A_396, %mul3A_395 : i32
        %mul3A_398 = arith.constant 16 : i32
        %mul3A_399 = arith.muli %add3A_397, %mul3A_398 : i32
        %get3A = arith.index_cast %mul3A_399 : i32 to index
        %get3A_400 = tpu.vector_load %arg9[%get3A] {strides = array<i32>} : memref<2048xi32, #tpu.memory_space<vmem>>, vector<16xi32>,
        %gather3A = tpu.vector_load_idx %arg7[%get3A_400] : memref<100000xf32, #tpu.memory_space<vmem>>[vector<16xi32>], vector<16xf32>,
        %mul3A_401 = arith.constant 16 : i32
        %mul3A_402 = arith.muli %add3A_397, %mul3A_401 : i32
        %swap3A = arith.index_cast %mul3A_402 : i32 to index
        %swap3A_403 = tpu.vector_load %arg11[%swap3A] {strides = array<i32>} : memref<2048xf32, #tpu.memory_space<vmem>>, vector<16xf32>,
        tpu.vector_store %arg11[%swap3A], %gather3A {strides = array<i32>} : memref<2048xf32, #tpu.memory_space<vmem>>, vector<16xf32>,
      }
      %scan3A_220 = arith.constant 128 : i32
      %dma_start3A_221 = arith.constant 0 : i32
      %dma_start3A_222 = tpu.memref_slice %arg5[%add3A_55, %select_n3A_28, %dma_start3A_221] : memref<52x8x16384xf32, #tpu.memory_space<hbm>> -> memref<1x1x16384xf32, #tpu.memory_space<hbm>>
      %dma_start3A_223 = tpu.memref_squeeze %dma_start3A_222 : memref<1x1x16384xf32, #tpu.memory_space<hbm>> -> memref<16384xf32, #tpu.memory_space<hbm>>
      %dma_start3A_224 = arith.constant 6144 : i32
      %dma_start3A_225 = tpu.memref_slice %dma_start3A_223[%dma_start3A_224] : memref<16384xf32, #tpu.memory_space<hbm>> -> memref<2048xf32, #tpu.memory_space<hbm>>
      %dma_start3A_226 = arith.constant 0 : i32
      %dma_start3A_227 = tpu.memref_slice %arg5[%add3A_55, %select_n3A_28, %dma_start3A_226] : memref<52x8x16384xf32, #tpu.memory_space<hbm>> -> memref<1x1x16384xf32, #tpu.memory_space<hbm>>
      %dma_start3A_228 = tpu.memref_squeeze %dma_start3A_227 : memref<1x1x16384xf32, #tpu.memory_space<hbm>> -> memref<16384xf32, #tpu.memory_space<hbm>>
      %dma_start3A_229 = arith.constant 6144 : i32
      %dma_start3A_230 = tpu.memref_slice %dma_start3A_228[%dma_start3A_229] : memref<16384xf32, #tpu.memory_space<hbm>> -> memref<2048xf32, #tpu.memory_space<hbm>>
      tpu.enqueue_dma source(%arg11 : memref<2048xf32, #tpu.memory_space<vmem>>) target(%dma_start3A_230 : memref<2048xf32, #tpu.memory_space<hbm>>) target_semaphore(%arg15 : memref<!tpu.dma_semaphore, #tpu.memory_space<semaphore_mem>>)
      %dma_wait3A_231 = arith.constant 8192 : i32
      %dma_wait3A_232 = tpu.memref_slice %arg4[%select_n3A_82, %dma_wait3A_231] : memref<26x16384xi32, #tpu.memory_space<hbm>> -> memref<1x2048xi32, #tpu.memory_space<hbm>>
      %dma_wait3A_233 = tpu.memref_squeeze %dma_wait3A_232 : memref<1x2048xi32, #tpu.memory_space<hbm>> -> memref<2048xi32, #tpu.memory_space<hbm>>
      %dma_wait3A_234 = arith.constant 8192 : i32
      %dma_wait3A_235 = tpu.memref_slice %arg4[%select_n3A_82, %dma_wait3A_234] : memref<26x16384xi32, #tpu.memory_space<hbm>> -> memref<1x2048xi32, #tpu.memory_space<hbm>>
      %dma_wait3A_236 = tpu.memref_squeeze %dma_wait3A_235 : memref<1x2048xi32, #tpu.memory_space<hbm>> -> memref<2048xi32, #tpu.memory_space<hbm>>
      tpu.wait_dma2 semaphore(%arg12 : memref<!tpu.dma_semaphore, #tpu.memory_space<semaphore_mem>>) src(%dma_wait3A_236 : memref<2048xi32, #tpu.memory_space<hbm>>) dst(%arg8 : memref<2048xi32, #tpu.memory_space<vmem>>)
      %dma_start3A_237 = arith.constant 10240 : i32
      %dma_start3A_238 = tpu.memref_slice %arg4[%select_n3A_82, %dma_start3A_237] : memref<26x16384xi32, #tpu.memory_space<hbm>> -> memref<1x2048xi32, #tpu.memory_space<hbm>>
      %dma_start3A_239 = tpu.memref_squeeze %dma_start3A_238 : memref<1x2048xi32, #tpu.memory_space<hbm>> -> memref<2048xi32, #tpu.memory_space<hbm>>
      %dma_start3A_240 = arith.constant 10240 : i32
      %dma_start3A_241 = tpu.memref_slice %arg4[%select_n3A_82, %dma_start3A_240] : memref<26x16384xi32, #tpu.memory_space<hbm>> -> memref<1x2048xi32, #tpu.memory_space<hbm>>
      %dma_start3A_242 = tpu.memref_squeeze %dma_start3A_241 : memref<1x2048xi32, #tpu.memory_space<hbm>> -> memref<2048xi32, #tpu.memory_space<hbm>>
      tpu.enqueue_dma source(%dma_start3A_242 : memref<2048xi32, #tpu.memory_space<hbm>>) target(%arg9 : memref<2048xi32, #tpu.memory_space<vmem>>) target_semaphore(%arg13 : memref<!tpu.dma_semaphore, #tpu.memory_space<semaphore_mem>>)
      %dma_wait3A_243 = arith.constant 0 : i32
      %dma_wait3A_244 = tpu.memref_slice %arg5[%add3A_55, %select_n3A_28, %dma_wait3A_243] : memref<52x8x16384xf32, #tpu.memory_space<hbm>> -> memref<1x1x16384xf32, #tpu.memory_space<hbm>>
      %dma_wait3A_245 = tpu.memref_squeeze %dma_wait3A_244 : memref<1x1x16384xf32, #tpu.memory_space<hbm>> -> memref<16384xf32, #tpu.memory_space<hbm>>
      %dma_wait3A_246 = arith.constant 4096 : i32
      %dma_wait3A_247 = tpu.memref_slice %dma_wait3A_245[%dma_wait3A_246] : memref<16384xf32, #tpu.memory_space<hbm>> -> memref<2048xf32, #tpu.memory_space<hbm>>
      %dma_wait3A_248 = arith.constant 0 : i32
      %dma_wait3A_249 = tpu.memref_slice %arg5[%add3A_55, %select_n3A_28, %dma_wait3A_248] : memref<52x8x16384xf32, #tpu.memory_space<hbm>> -> memref<1x1x16384xf32, #tpu.memory_space<hbm>>
      %dma_wait3A_250 = tpu.memref_squeeze %dma_wait3A_249 : memref<1x1x16384xf32, #tpu.memory_space<hbm>> -> memref<16384xf32, #tpu.memory_space<hbm>>
      %dma_wait3A_251 = arith.constant 4096 : i32
      %dma_wait3A_252 = tpu.memref_slice %dma_wait3A_250[%dma_wait3A_251] : memref<16384xf32, #tpu.memory_space<hbm>> -> memref<2048xf32, #tpu.memory_space<hbm>>
      tpu.wait_dma2 semaphore(%arg14 : memref<!tpu.dma_semaphore, #tpu.memory_space<semaphore_mem>>) src(%arg10 : memref<2048xf32, #tpu.memory_space<vmem>>) dst(%dma_wait3A_252 : memref<2048xf32, #tpu.memory_space<hbm>>)
      %scan3A_253 = arith.constant 0 : i32
      %scan3A_254 = arith.constant 128 : i32
      %scan3A_255 = arith.addi %scan3A_253, %scan3A_254 : i32
      %scan3A_256 = arith.constant 1 : i32
      scf.for %scan3A_393 = %scan3A_253 to %scan3A_255 step %scan3A_256  : i32 {
        %mul3A_394 = arith.constant 1 : i32
        %mul3A_395 = arith.muli %scan3A_393, %mul3A_394 : i32
        %add3A_396 = arith.constant 0 : i32
        %add3A_397 = arith.addi %add3A_396, %mul3A_395 : i32
        %mul3A_398 = arith.constant 16 : i32
        %mul3A_399 = arith.muli %add3A_397, %mul3A_398 : i32
        %get3A = arith.index_cast %mul3A_399 : i32 to index
        %get3A_400 = tpu.vector_load %arg8[%get3A] {strides = array<i32>} : memref<2048xi32, #tpu.memory_space<vmem>>, vector<16xi32>,
        %gather3A = tpu.vector_load_idx %arg7[%get3A_400] : memref<100000xf32, #tpu.memory_space<vmem>>[vector<16xi32>], vector<16xf32>,
        %mul3A_401 = arith.constant 16 : i32
        %mul3A_402 = arith.muli %add3A_397, %mul3A_401 : i32
        %swap3A = arith.index_cast %mul3A_402 : i32 to index
        %swap3A_403 = tpu.vector_load %arg10[%swap3A] {strides = array<i32>} : memref<2048xf32, #tpu.memory_space<vmem>>, vector<16xf32>,
        tpu.vector_store %arg10[%swap3A], %gather3A {strides = array<i32>} : memref<2048xf32, #tpu.memory_space<vmem>>, vector<16xf32>,
      }
      %scan3A_257 = arith.constant 128 : i32
      %dma_start3A_258 = arith.constant 0 : i32
      %dma_start3A_259 = tpu.memref_slice %arg5[%add3A_55, %select_n3A_28, %dma_start3A_258] : memref<52x8x16384xf32, #tpu.memory_space<hbm>> -> memref<1x1x16384xf32, #tpu.memory_space<hbm>>
      %dma_start3A_260 = tpu.memref_squeeze %dma_start3A_259 : memref<1x1x16384xf32, #tpu.memory_space<hbm>> -> memref<16384xf32, #tpu.memory_space<hbm>>
      %dma_start3A_261 = arith.constant 8192 : i32
      %dma_start3A_262 = tpu.memref_slice %dma_start3A_260[%dma_start3A_261] : memref<16384xf32, #tpu.memory_space<hbm>> -> memref<2048xf32, #tpu.memory_space<hbm>>
      %dma_start3A_263 = arith.constant 0 : i32
      %dma_start3A_264 = tpu.memref_slice %arg5[%add3A_55, %select_n3A_28, %dma_start3A_263] : memref<52x8x16384xf32, #tpu.memory_space<hbm>> -> memref<1x1x16384xf32, #tpu.memory_space<hbm>>
      %dma_start3A_265 = tpu.memref_squeeze %dma_start3A_264 : memref<1x1x16384xf32, #tpu.memory_space<hbm>> -> memref<16384xf32, #tpu.memory_space<hbm>>
      %dma_start3A_266 = arith.constant 8192 : i32
      %dma_start3A_267 = tpu.memref_slice %dma_start3A_265[%dma_start3A_266] : memref<16384xf32, #tpu.memory_space<hbm>> -> memref<2048xf32, #tpu.memory_space<hbm>>
      tpu.enqueue_dma source(%arg10 : memref<2048xf32, #tpu.memory_space<vmem>>) target(%dma_start3A_267 : memref<2048xf32, #tpu.memory_space<hbm>>) target_semaphore(%arg14 : memref<!tpu.dma_semaphore, #tpu.memory_space<semaphore_mem>>)
      %dma_wait3A_268 = arith.constant 10240 : i32
      %dma_wait3A_269 = tpu.memref_slice %arg4[%select_n3A_82, %dma_wait3A_268] : memref<26x16384xi32, #tpu.memory_space<hbm>> -> memref<1x2048xi32, #tpu.memory_space<hbm>>
      %dma_wait3A_270 = tpu.memref_squeeze %dma_wait3A_269 : memref<1x2048xi32, #tpu.memory_space<hbm>> -> memref<2048xi32, #tpu.memory_space<hbm>>
      %dma_wait3A_271 = arith.constant 10240 : i32
      %dma_wait3A_272 = tpu.memref_slice %arg4[%select_n3A_82, %dma_wait3A_271] : memref<26x16384xi32, #tpu.memory_space<hbm>> -> memref<1x2048xi32, #tpu.memory_space<hbm>>
      %dma_wait3A_273 = tpu.memref_squeeze %dma_wait3A_272 : memref<1x2048xi32, #tpu.memory_space<hbm>> -> memref<2048xi32, #tpu.memory_space<hbm>>
      tpu.wait_dma2 semaphore(%arg13 : memref<!tpu.dma_semaphore, #tpu.memory_space<semaphore_mem>>) src(%dma_wait3A_273 : memref<2048xi32, #tpu.memory_space<hbm>>) dst(%arg9 : memref<2048xi32, #tpu.memory_space<vmem>>)
      %dma_start3A_274 = arith.constant 12288 : i32
      %dma_start3A_275 = tpu.memref_slice %arg4[%select_n3A_82, %dma_start3A_274] : memref<26x16384xi32, #tpu.memory_space<hbm>> -> memref<1x2048xi32, #tpu.memory_space<hbm>>
      %dma_start3A_276 = tpu.memref_squeeze %dma_start3A_275 : memref<1x2048xi32, #tpu.memory_space<hbm>> -> memref<2048xi32, #tpu.memory_space<hbm>>
      %dma_start3A_277 = arith.constant 12288 : i32
      %dma_start3A_278 = tpu.memref_slice %arg4[%select_n3A_82, %dma_start3A_277] : memref<26x16384xi32, #tpu.memory_space<hbm>> -> memref<1x2048xi32, #tpu.memory_space<hbm>>
      %dma_start3A_279 = tpu.memref_squeeze %dma_start3A_278 : memref<1x2048xi32, #tpu.memory_space<hbm>> -> memref<2048xi32, #tpu.memory_space<hbm>>
      tpu.enqueue_dma source(%dma_start3A_279 : memref<2048xi32, #tpu.memory_space<hbm>>) target(%arg8 : memref<2048xi32, #tpu.memory_space<vmem>>) target_semaphore(%arg12 : memref<!tpu.dma_semaphore, #tpu.memory_space<semaphore_mem>>)
      %dma_wait3A_280 = arith.constant 0 : i32
      %dma_wait3A_281 = tpu.memref_slice %arg5[%add3A_55, %select_n3A_28, %dma_wait3A_280] : memref<52x8x16384xf32, #tpu.memory_space<hbm>> -> memref<1x1x16384xf32, #tpu.memory_space<hbm>>
      %dma_wait3A_282 = tpu.memref_squeeze %dma_wait3A_281 : memref<1x1x16384xf32, #tpu.memory_space<hbm>> -> memref<16384xf32, #tpu.memory_space<hbm>>
      %dma_wait3A_283 = arith.constant 6144 : i32
      %dma_wait3A_284 = tpu.memref_slice %dma_wait3A_282[%dma_wait3A_283] : memref<16384xf32, #tpu.memory_space<hbm>> -> memref<2048xf32, #tpu.memory_space<hbm>>
      %dma_wait3A_285 = arith.constant 0 : i32
      %dma_wait3A_286 = tpu.memref_slice %arg5[%add3A_55, %select_n3A_28, %dma_wait3A_285] : memref<52x8x16384xf32, #tpu.memory_space<hbm>> -> memref<1x1x16384xf32, #tpu.memory_space<hbm>>
      %dma_wait3A_287 = tpu.memref_squeeze %dma_wait3A_286 : memref<1x1x16384xf32, #tpu.memory_space<hbm>> -> memref<16384xf32, #tpu.memory_space<hbm>>
      %dma_wait3A_288 = arith.constant 6144 : i32
      %dma_wait3A_289 = tpu.memref_slice %dma_wait3A_287[%dma_wait3A_288] : memref<16384xf32, #tpu.memory_space<hbm>> -> memref<2048xf32, #tpu.memory_space<hbm>>
      tpu.wait_dma2 semaphore(%arg15 : memref<!tpu.dma_semaphore, #tpu.memory_space<semaphore_mem>>) src(%arg11 : memref<2048xf32, #tpu.memory_space<vmem>>) dst(%dma_wait3A_289 : memref<2048xf32, #tpu.memory_space<hbm>>)
      %scan3A_290 = arith.constant 0 : i32
      %scan3A_291 = arith.constant 128 : i32
      %scan3A_292 = arith.addi %scan3A_290, %scan3A_291 : i32
      %scan3A_293 = arith.constant 1 : i32
      scf.for %scan3A_393 = %scan3A_290 to %scan3A_292 step %scan3A_293  : i32 {
        %mul3A_394 = arith.constant 1 : i32
        %mul3A_395 = arith.muli %scan3A_393, %mul3A_394 : i32
        %add3A_396 = arith.constant 0 : i32
        %add3A_397 = arith.addi %add3A_396, %mul3A_395 : i32
        %mul3A_398 = arith.constant 16 : i32
        %mul3A_399 = arith.muli %add3A_397, %mul3A_398 : i32
        %get3A = arith.index_cast %mul3A_399 : i32 to index
        %get3A_400 = tpu.vector_load %arg9[%get3A] {strides = array<i32>} : memref<2048xi32, #tpu.memory_space<vmem>>, vector<16xi32>,
        %gather3A = tpu.vector_load_idx %arg7[%get3A_400] : memref<100000xf32, #tpu.memory_space<vmem>>[vector<16xi32>], vector<16xf32>,
        %mul3A_401 = arith.constant 16 : i32
        %mul3A_402 = arith.muli %add3A_397, %mul3A_401 : i32
        %swap3A = arith.index_cast %mul3A_402 : i32 to index
        %swap3A_403 = tpu.vector_load %arg11[%swap3A] {strides = array<i32>} : memref<2048xf32, #tpu.memory_space<vmem>>, vector<16xf32>,
        tpu.vector_store %arg11[%swap3A], %gather3A {strides = array<i32>} : memref<2048xf32, #tpu.memory_space<vmem>>, vector<16xf32>,
      }
      %scan3A_294 = arith.constant 128 : i32
      %dma_start3A_295 = arith.constant 0 : i32
      %dma_start3A_296 = tpu.memref_slice %arg5[%add3A_55, %select_n3A_28, %dma_start3A_295] : memref<52x8x16384xf32, #tpu.memory_space<hbm>> -> memref<1x1x16384xf32, #tpu.memory_space<hbm>>
      %dma_start3A_297 = tpu.memref_squeeze %dma_start3A_296 : memref<1x1x16384xf32, #tpu.memory_space<hbm>> -> memref<16384xf32, #tpu.memory_space<hbm>>
      %dma_start3A_298 = arith.constant 10240 : i32
      %dma_start3A_299 = tpu.memref_slice %dma_start3A_297[%dma_start3A_298] : memref<16384xf32, #tpu.memory_space<hbm>> -> memref<2048xf32, #tpu.memory_space<hbm>>
      %dma_start3A_300 = arith.constant 0 : i32
      %dma_start3A_301 = tpu.memref_slice %arg5[%add3A_55, %select_n3A_28, %dma_start3A_300] : memref<52x8x16384xf32, #tpu.memory_space<hbm>> -> memref<1x1x16384xf32, #tpu.memory_space<hbm>>
      %dma_start3A_302 = tpu.memref_squeeze %dma_start3A_301 : memref<1x1x16384xf32, #tpu.memory_space<hbm>> -> memref<16384xf32, #tpu.memory_space<hbm>>
      %dma_start3A_303 = arith.constant 10240 : i32
      %dma_start3A_304 = tpu.memref_slice %dma_start3A_302[%dma_start3A_303] : memref<16384xf32, #tpu.memory_space<hbm>> -> memref<2048xf32, #tpu.memory_space<hbm>>
      tpu.enqueue_dma source(%arg11 : memref<2048xf32, #tpu.memory_space<vmem>>) target(%dma_start3A_304 : memref<2048xf32, #tpu.memory_space<hbm>>) target_semaphore(%arg15 : memref<!tpu.dma_semaphore, #tpu.memory_space<semaphore_mem>>)
      %dma_wait3A_305 = arith.constant 12288 : i32
      %dma_wait3A_306 = tpu.memref_slice %arg4[%select_n3A_82, %dma_wait3A_305] : memref<26x16384xi32, #tpu.memory_space<hbm>> -> memref<1x2048xi32, #tpu.memory_space<hbm>>
      %dma_wait3A_307 = tpu.memref_squeeze %dma_wait3A_306 : memref<1x2048xi32, #tpu.memory_space<hbm>> -> memref<2048xi32, #tpu.memory_space<hbm>>
      %dma_wait3A_308 = arith.constant 12288 : i32
      %dma_wait3A_309 = tpu.memref_slice %arg4[%select_n3A_82, %dma_wait3A_308] : memref<26x16384xi32, #tpu.memory_space<hbm>> -> memref<1x2048xi32, #tpu.memory_space<hbm>>
      %dma_wait3A_310 = tpu.memref_squeeze %dma_wait3A_309 : memref<1x2048xi32, #tpu.memory_space<hbm>> -> memref<2048xi32, #tpu.memory_space<hbm>>
      tpu.wait_dma2 semaphore(%arg12 : memref<!tpu.dma_semaphore, #tpu.memory_space<semaphore_mem>>) src(%dma_wait3A_310 : memref<2048xi32, #tpu.memory_space<hbm>>) dst(%arg8 : memref<2048xi32, #tpu.memory_space<vmem>>)
      %dma_start3A_311 = arith.constant 14336 : i32
      %dma_start3A_312 = tpu.memref_slice %arg4[%select_n3A_82, %dma_start3A_311] : memref<26x16384xi32, #tpu.memory_space<hbm>> -> memref<1x2048xi32, #tpu.memory_space<hbm>>
      %dma_start3A_313 = tpu.memref_squeeze %dma_start3A_312 : memref<1x2048xi32, #tpu.memory_space<hbm>> -> memref<2048xi32, #tpu.memory_space<hbm>>
      %dma_start3A_314 = arith.constant 14336 : i32
      %dma_start3A_315 = tpu.memref_slice %arg4[%select_n3A_82, %dma_start3A_314] : memref<26x16384xi32, #tpu.memory_space<hbm>> -> memref<1x2048xi32, #tpu.memory_space<hbm>>
      %dma_start3A_316 = tpu.memref_squeeze %dma_start3A_315 : memref<1x2048xi32, #tpu.memory_space<hbm>> -> memref<2048xi32, #tpu.memory_space<hbm>>
      tpu.enqueue_dma source(%dma_start3A_316 : memref<2048xi32, #tpu.memory_space<hbm>>) target(%arg9 : memref<2048xi32, #tpu.memory_space<vmem>>) target_semaphore(%arg13 : memref<!tpu.dma_semaphore, #tpu.memory_space<semaphore_mem>>)
      %dma_wait3A_317 = arith.constant 0 : i32
      %dma_wait3A_318 = tpu.memref_slice %arg5[%add3A_55, %select_n3A_28, %dma_wait3A_317] : memref<52x8x16384xf32, #tpu.memory_space<hbm>> -> memref<1x1x16384xf32, #tpu.memory_space<hbm>>
      %dma_wait3A_319 = tpu.memref_squeeze %dma_wait3A_318 : memref<1x1x16384xf32, #tpu.memory_space<hbm>> -> memref<16384xf32, #tpu.memory_space<hbm>>
      %dma_wait3A_320 = arith.constant 8192 : i32
      %dma_wait3A_321 = tpu.memref_slice %dma_wait3A_319[%dma_wait3A_320] : memref<16384xf32, #tpu.memory_space<hbm>> -> memref<2048xf32, #tpu.memory_space<hbm>>
      %dma_wait3A_322 = arith.constant 0 : i32
      %dma_wait3A_323 = tpu.memref_slice %arg5[%add3A_55, %select_n3A_28, %dma_wait3A_322] : memref<52x8x16384xf32, #tpu.memory_space<hbm>> -> memref<1x1x16384xf32, #tpu.memory_space<hbm>>
      %dma_wait3A_324 = tpu.memref_squeeze %dma_wait3A_323 : memref<1x1x16384xf32, #tpu.memory_space<hbm>> -> memref<16384xf32, #tpu.memory_space<hbm>>
      %dma_wait3A_325 = arith.constant 8192 : i32
      %dma_wait3A_326 = tpu.memref_slice %dma_wait3A_324[%dma_wait3A_325] : memref<16384xf32, #tpu.memory_space<hbm>> -> memref<2048xf32, #tpu.memory_space<hbm>>
      tpu.wait_dma2 semaphore(%arg14 : memref<!tpu.dma_semaphore, #tpu.memory_space<semaphore_mem>>) src(%arg10 : memref<2048xf32, #tpu.memory_space<vmem>>) dst(%dma_wait3A_326 : memref<2048xf32, #tpu.memory_space<hbm>>)
      %scan3A_327 = arith.constant 0 : i32
      %scan3A_328 = arith.constant 128 : i32
      %scan3A_329 = arith.addi %scan3A_327, %scan3A_328 : i32
      %scan3A_330 = arith.constant 1 : i32
      scf.for %scan3A_393 = %scan3A_327 to %scan3A_329 step %scan3A_330  : i32 {
        %mul3A_394 = arith.constant 1 : i32
        %mul3A_395 = arith.muli %scan3A_393, %mul3A_394 : i32
        %add3A_396 = arith.constant 0 : i32
        %add3A_397 = arith.addi %add3A_396, %mul3A_395 : i32
        %mul3A_398 = arith.constant 16 : i32
        %mul3A_399 = arith.muli %add3A_397, %mul3A_398 : i32
        %get3A = arith.index_cast %mul3A_399 : i32 to index
        %get3A_400 = tpu.vector_load %arg8[%get3A] {strides = array<i32>} : memref<2048xi32, #tpu.memory_space<vmem>>, vector<16xi32>,
        %gather3A = tpu.vector_load_idx %arg7[%get3A_400] : memref<100000xf32, #tpu.memory_space<vmem>>[vector<16xi32>], vector<16xf32>,
        %mul3A_401 = arith.constant 16 : i32
        %mul3A_402 = arith.muli %add3A_397, %mul3A_401 : i32
        %swap3A = arith.index_cast %mul3A_402 : i32 to index
        %swap3A_403 = tpu.vector_load %arg10[%swap3A] {strides = array<i32>} : memref<2048xf32, #tpu.memory_space<vmem>>, vector<16xf32>,
        tpu.vector_store %arg10[%swap3A], %gather3A {strides = array<i32>} : memref<2048xf32, #tpu.memory_space<vmem>>, vector<16xf32>,
      }
      %scan3A_331 = arith.constant 128 : i32
      %dma_start3A_332 = arith.constant 0 : i32
      %dma_start3A_333 = tpu.memref_slice %arg5[%add3A_55, %select_n3A_28, %dma_start3A_332] : memref<52x8x16384xf32, #tpu.memory_space<hbm>> -> memref<1x1x16384xf32, #tpu.memory_space<hbm>>
      %dma_start3A_334 = tpu.memref_squeeze %dma_start3A_333 : memref<1x1x16384xf32, #tpu.memory_space<hbm>> -> memref<16384xf32, #tpu.memory_space<hbm>>
      %dma_start3A_335 = arith.constant 12288 : i32
      %dma_start3A_336 = tpu.memref_slice %dma_start3A_334[%dma_start3A_335] : memref<16384xf32, #tpu.memory_space<hbm>> -> memref<2048xf32, #tpu.memory_space<hbm>>
      %dma_start3A_337 = arith.constant 0 : i32
      %dma_start3A_338 = tpu.memref_slice %arg5[%add3A_55, %select_n3A_28, %dma_start3A_337] : memref<52x8x16384xf32, #tpu.memory_space<hbm>> -> memref<1x1x16384xf32, #tpu.memory_space<hbm>>
      %dma_start3A_339 = tpu.memref_squeeze %dma_start3A_338 : memref<1x1x16384xf32, #tpu.memory_space<hbm>> -> memref<16384xf32, #tpu.memory_space<hbm>>
      %dma_start3A_340 = arith.constant 12288 : i32
      %dma_start3A_341 = tpu.memref_slice %dma_start3A_339[%dma_start3A_340] : memref<16384xf32, #tpu.memory_space<hbm>> -> memref<2048xf32, #tpu.memory_space<hbm>>
      tpu.enqueue_dma source(%arg10 : memref<2048xf32, #tpu.memory_space<vmem>>) target(%dma_start3A_341 : memref<2048xf32, #tpu.memory_space<hbm>>) target_semaphore(%arg14 : memref<!tpu.dma_semaphore, #tpu.memory_space<semaphore_mem>>)
      %dma_wait3A_342 = arith.constant 14336 : i32
      %dma_wait3A_343 = tpu.memref_slice %arg4[%select_n3A_82, %dma_wait3A_342] : memref<26x16384xi32, #tpu.memory_space<hbm>> -> memref<1x2048xi32, #tpu.memory_space<hbm>>
      %dma_wait3A_344 = tpu.memref_squeeze %dma_wait3A_343 : memref<1x2048xi32, #tpu.memory_space<hbm>> -> memref<2048xi32, #tpu.memory_space<hbm>>
      %dma_wait3A_345 = arith.constant 14336 : i32
      %dma_wait3A_346 = tpu.memref_slice %arg4[%select_n3A_82, %dma_wait3A_345] : memref<26x16384xi32, #tpu.memory_space<hbm>> -> memref<1x2048xi32, #tpu.memory_space<hbm>>
      %dma_wait3A_347 = tpu.memref_squeeze %dma_wait3A_346 : memref<1x2048xi32, #tpu.memory_space<hbm>> -> memref<2048xi32, #tpu.memory_space<hbm>>
      tpu.wait_dma2 semaphore(%arg13 : memref<!tpu.dma_semaphore, #tpu.memory_space<semaphore_mem>>) src(%dma_wait3A_347 : memref<2048xi32, #tpu.memory_space<hbm>>) dst(%arg9 : memref<2048xi32, #tpu.memory_space<vmem>>)
      %dma_wait3A_348 = arith.constant 0 : i32
      %dma_wait3A_349 = tpu.memref_slice %arg5[%add3A_55, %select_n3A_28, %dma_wait3A_348] : memref<52x8x16384xf32, #tpu.memory_space<hbm>> -> memref<1x1x16384xf32, #tpu.memory_space<hbm>>
      %dma_wait3A_350 = tpu.memref_squeeze %dma_wait3A_349 : memref<1x1x16384xf32, #tpu.memory_space<hbm>> -> memref<16384xf32, #tpu.memory_space<hbm>>
      %dma_wait3A_351 = arith.constant 10240 : i32
      %dma_wait3A_352 = tpu.memref_slice %dma_wait3A_350[%dma_wait3A_351] : memref<16384xf32, #tpu.memory_space<hbm>> -> memref<2048xf32, #tpu.memory_space<hbm>>
      %dma_wait3A_353 = arith.constant 0 : i32
      %dma_wait3A_354 = tpu.memref_slice %arg5[%add3A_55, %select_n3A_28, %dma_wait3A_353] : memref<52x8x16384xf32, #tpu.memory_space<hbm>> -> memref<1x1x16384xf32, #tpu.memory_space<hbm>>
      %dma_wait3A_355 = tpu.memref_squeeze %dma_wait3A_354 : memref<1x1x16384xf32, #tpu.memory_space<hbm>> -> memref<16384xf32, #tpu.memory_space<hbm>>
      %dma_wait3A_356 = arith.constant 10240 : i32
      %dma_wait3A_357 = tpu.memref_slice %dma_wait3A_355[%dma_wait3A_356] : memref<16384xf32, #tpu.memory_space<hbm>> -> memref<2048xf32, #tpu.memory_space<hbm>>
      tpu.wait_dma2 semaphore(%arg15 : memref<!tpu.dma_semaphore, #tpu.memory_space<semaphore_mem>>) src(%arg11 : memref<2048xf32, #tpu.memory_space<vmem>>) dst(%dma_wait3A_357 : memref<2048xf32, #tpu.memory_space<hbm>>)
      %scan3A_358 = arith.constant 0 : i32
      %scan3A_359 = arith.constant 128 : i32
      %scan3A_360 = arith.addi %scan3A_358, %scan3A_359 : i32
      %scan3A_361 = arith.constant 1 : i32
      scf.for %scan3A_393 = %scan3A_358 to %scan3A_360 step %scan3A_361  : i32 {
        %mul3A_394 = arith.constant 1 : i32
        %mul3A_395 = arith.muli %scan3A_393, %mul3A_394 : i32
        %add3A_396 = arith.constant 0 : i32
        %add3A_397 = arith.addi %add3A_396, %mul3A_395 : i32
        %mul3A_398 = arith.constant 16 : i32
        %mul3A_399 = arith.muli %add3A_397, %mul3A_398 : i32
        %get3A = arith.index_cast %mul3A_399 : i32 to index
        %get3A_400 = tpu.vector_load %arg9[%get3A] {strides = array<i32>} : memref<2048xi32, #tpu.memory_space<vmem>>, vector<16xi32>,
        %gather3A = tpu.vector_load_idx %arg7[%get3A_400] : memref<100000xf32, #tpu.memory_space<vmem>>[vector<16xi32>], vector<16xf32>,
        %mul3A_401 = arith.constant 16 : i32
        %mul3A_402 = arith.muli %add3A_397, %mul3A_401 : i32
        %swap3A = arith.index_cast %mul3A_402 : i32 to index
        %swap3A_403 = tpu.vector_load %arg11[%swap3A] {strides = array<i32>} : memref<2048xf32, #tpu.memory_space<vmem>>, vector<16xf32>,
        tpu.vector_store %arg11[%swap3A], %gather3A {strides = array<i32>} : memref<2048xf32, #tpu.memory_space<vmem>>, vector<16xf32>,
      }
      %scan3A_362 = arith.constant 128 : i32
      %dma_start3A_363 = arith.constant 0 : i32
      %dma_start3A_364 = tpu.memref_slice %arg5[%add3A_55, %select_n3A_28, %dma_start3A_363] : memref<52x8x16384xf32, #tpu.memory_space<hbm>> -> memref<1x1x16384xf32, #tpu.memory_space<hbm>>
      %dma_start3A_365 = tpu.memref_squeeze %dma_start3A_364 : memref<1x1x16384xf32, #tpu.memory_space<hbm>> -> memref<16384xf32, #tpu.memory_space<hbm>>
      %dma_start3A_366 = arith.constant 14336 : i32
      %dma_start3A_367 = tpu.memref_slice %dma_start3A_365[%dma_start3A_366] : memref<16384xf32, #tpu.memory_space<hbm>> -> memref<2048xf32, #tpu.memory_space<hbm>>
      %dma_start3A_368 = arith.constant 0 : i32
      %dma_start3A_369 = tpu.memref_slice %arg5[%add3A_55, %select_n3A_28, %dma_start3A_368] : memref<52x8x16384xf32, #tpu.memory_space<hbm>> -> memref<1x1x16384xf32, #tpu.memory_space<hbm>>
      %dma_start3A_370 = tpu.memref_squeeze %dma_start3A_369 : memref<1x1x16384xf32, #tpu.memory_space<hbm>> -> memref<16384xf32, #tpu.memory_space<hbm>>
      %dma_start3A_371 = arith.constant 14336 : i32
      %dma_start3A_372 = tpu.memref_slice %dma_start3A_370[%dma_start3A_371] : memref<16384xf32, #tpu.memory_space<hbm>> -> memref<2048xf32, #tpu.memory_space<hbm>>
      tpu.enqueue_dma source(%arg11 : memref<2048xf32, #tpu.memory_space<vmem>>) target(%dma_start3A_372 : memref<2048xf32, #tpu.memory_space<hbm>>) target_semaphore(%arg15 : memref<!tpu.dma_semaphore, #tpu.memory_space<semaphore_mem>>)
      %dma_wait3A_373 = arith.constant 0 : i32
      %dma_wait3A_374 = tpu.memref_slice %arg5[%add3A_55, %select_n3A_28, %dma_wait3A_373] : memref<52x8x16384xf32, #tpu.memory_space<hbm>> -> memref<1x1x16384xf32, #tpu.memory_space<hbm>>
      %dma_wait3A_375 = tpu.memref_squeeze %dma_wait3A_374 : memref<1x1x16384xf32, #tpu.memory_space<hbm>> -> memref<16384xf32, #tpu.memory_space<hbm>>
      %dma_wait3A_376 = arith.constant 12288 : i32
      %dma_wait3A_377 = tpu.memref_slice %dma_wait3A_375[%dma_wait3A_376] : memref<16384xf32, #tpu.memory_space<hbm>> -> memref<2048xf32, #tpu.memory_space<hbm>>
      %dma_wait3A_378 = arith.constant 0 : i32
      %dma_wait3A_379 = tpu.memref_slice %arg5[%add3A_55, %select_n3A_28, %dma_wait3A_378] : memref<52x8x16384xf32, #tpu.memory_space<hbm>> -> memref<1x1x16384xf32, #tpu.memory_space<hbm>>
      %dma_wait3A_380 = tpu.memref_squeeze %dma_wait3A_379 : memref<1x1x16384xf32, #tpu.memory_space<hbm>> -> memref<16384xf32, #tpu.memory_space<hbm>>
      %dma_wait3A_381 = arith.constant 12288 : i32
      %dma_wait3A_382 = tpu.memref_slice %dma_wait3A_380[%dma_wait3A_381] : memref<16384xf32, #tpu.memory_space<hbm>> -> memref<2048xf32, #tpu.memory_space<hbm>>
      tpu.wait_dma2 semaphore(%arg14 : memref<!tpu.dma_semaphore, #tpu.memory_space<semaphore_mem>>) src(%arg10 : memref<2048xf32, #tpu.memory_space<vmem>>) dst(%dma_wait3A_382 : memref<2048xf32, #tpu.memory_space<hbm>>)
      %dma_wait3A_383 = arith.constant 0 : i32
      %dma_wait3A_384 = tpu.memref_slice %arg5[%add3A_55, %select_n3A_28, %dma_wait3A_383] : memref<52x8x16384xf32, #tpu.memory_space<hbm>> -> memref<1x1x16384xf32, #tpu.memory_space<hbm>>
      %dma_wait3A_385 = tpu.memref_squeeze %dma_wait3A_384 : memref<1x1x16384xf32, #tpu.memory_space<hbm>> -> memref<16384xf32, #tpu.memory_space<hbm>>
      %dma_wait3A_386 = arith.constant 14336 : i32
      %dma_wait3A_387 = tpu.memref_slice %dma_wait3A_385[%dma_wait3A_386] : memref<16384xf32, #tpu.memory_space<hbm>> -> memref<2048xf32, #tpu.memory_space<hbm>>
      %dma_wait3A_388 = arith.constant 0 : i32
      %dma_wait3A_389 = tpu.memref_slice %arg5[%add3A_55, %select_n3A_28, %dma_wait3A_388] : memref<52x8x16384xf32, #tpu.memory_space<hbm>> -> memref<1x1x16384xf32, #tpu.memory_space<hbm>>
      %dma_wait3A_390 = tpu.memref_squeeze %dma_wait3A_389 : memref<1x1x16384xf32, #tpu.memory_space<hbm>> -> memref<16384xf32, #tpu.memory_space<hbm>>
      %dma_wait3A_391 = arith.constant 14336 : i32
      %dma_wait3A_392 = tpu.memref_slice %dma_wait3A_390[%dma_wait3A_391] : memref<16384xf32, #tpu.memory_space<hbm>> -> memref<2048xf32, #tpu.memory_space<hbm>>
      tpu.wait_dma2 semaphore(%arg15 : memref<!tpu.dma_semaphore, #tpu.memory_space<semaphore_mem>>) src(%arg11 : memref<2048xf32, #tpu.memory_space<vmem>>) dst(%dma_wait3A_392 : memref<2048xf32, #tpu.memory_space<hbm>>)
    }
    %scan3A_32 = arith.constant 13 : i32
    %mul3A = arith.constant 2 : i32
    %mul3A_33 = arith.muli %arg0, %mul3A : i32
    %add3A_34 = arith.addi %mul3A_33, %select_n3A : i32
    %mul3A_35 = arith.constant 8 : i32
    %mul3A_36 = arith.muli %add3A_34, %mul3A_35 : i32
    %add3A_37 = arith.addi %mul3A_36, %select_n3A_28 : i32
    %lt3A_38 = arith.constant 26 : i32
    %lt3A_39 = arith.cmpi slt, %add3A_37, %lt3A_38 : i32
    %convert_element_type3A = arith.extui %lt3A_39 : i1 to i32
    %cond3A = arith.constant 0 : i32
    %cond3A_40 = arith.cmpi ne, %convert_element_type3A, %cond3A : i32
    scf.if %cond3A_40 {
      %dma_start3A = arith.constant 0 : i32
      %dma_start3A_45 = tpu.memref_slice %arg4[%add3A_37, %dma_start3A] : memref<26x16384xi32, #tpu.memory_space<hbm>> -> memref<1x2048xi32, #tpu.memory_space<hbm>>
      %dma_start3A_46 = tpu.memref_squeeze %dma_start3A_45 : memref<1x2048xi32, #tpu.memory_space<hbm>> -> memref<2048xi32, #tpu.memory_space<hbm>>
      %dma_start3A_47 = arith.constant 0 : i32
      %dma_start3A_48 = tpu.memref_slice %arg4[%add3A_37, %dma_start3A_47] : memref<26x16384xi32, #tpu.memory_space<hbm>> -> memref<1x2048xi32, #tpu.memory_space<hbm>>
      %dma_start3A_49 = tpu.memref_squeeze %dma_start3A_48 : memref<1x2048xi32, #tpu.memory_space<hbm>> -> memref<2048xi32, #tpu.memory_space<hbm>>
      tpu.enqueue_dma source(%dma_start3A_49 : memref<2048xi32, #tpu.memory_space<hbm>>) target(%arg8 : memref<2048xi32, #tpu.memory_space<vmem>>) target_semaphore(%arg12 : memref<!tpu.dma_semaphore, #tpu.memory_space<semaphore_mem>>)
      "tpu.region"() ({
        %run_scoped3A = tpu.sem_alloc : memref<!tpu.dma_semaphore, #tpu.memory_space<semaphore_mem>>
        %dma_start3A_339 = arith.constant 0 : i32
        %dma_start3A_340 = tpu.memref_slice %arg3[%add3A_37, %dma_start3A_339] : memref<26x100000xf32, #tpu.memory_space<hbm>> -> memref<1x100000xf32, #tpu.memory_space<hbm>>
        %dma_start3A_341 = tpu.memref_squeeze %dma_start3A_340 : memref<1x100000xf32, #tpu.memory_space<hbm>> -> memref<100000xf32, #tpu.memory_space<hbm>>
        %dma_start3A_342 = arith.constant 0 : i32
        %dma_start3A_343 = tpu.memref_slice %arg3[%add3A_37, %dma_start3A_342] : memref<26x100000xf32, #tpu.memory_space<hbm>> -> memref<1x100000xf32, #tpu.memory_space<hbm>>
        %dma_start3A_344 = tpu.memref_squeeze %dma_start3A_343 : memref<1x100000xf32, #tpu.memory_space<hbm>> -> memref<100000xf32, #tpu.memory_space<hbm>>
        tpu.enqueue_dma source(%dma_start3A_344 : memref<100000xf32, #tpu.memory_space<hbm>>) target(%arg7 : memref<100000xf32, #tpu.memory_space<vmem>>) target_semaphore(%run_scoped3A : memref<!tpu.dma_semaphore, #tpu.memory_space<semaphore_mem>>)
        %dma_wait3A_345 = arith.constant 0 : i32
        %dma_wait3A_346 = tpu.memref_slice %arg3[%add3A_37, %dma_wait3A_345] : memref<26x100000xf32, #tpu.memory_space<hbm>> -> memref<1x100000xf32, #tpu.memory_space<hbm>>
        %dma_wait3A_347 = tpu.memref_squeeze %dma_wait3A_346 : memref<1x100000xf32, #tpu.memory_space<hbm>> -> memref<100000xf32, #tpu.memory_space<hbm>>
        %dma_wait3A_348 = arith.constant 0 : i32
        %dma_wait3A_349 = tpu.memref_slice %arg3[%add3A_37, %dma_wait3A_348] : memref<26x100000xf32, #tpu.memory_space<hbm>> -> memref<1x100000xf32, #tpu.memory_space<hbm>>
        %dma_wait3A_350 = tpu.memref_squeeze %dma_wait3A_349 : memref<1x100000xf32, #tpu.memory_space<hbm>> -> memref<100000xf32, #tpu.memory_space<hbm>>
        tpu.wait_dma2 semaphore(%run_scoped3A : memref<!tpu.dma_semaphore, #tpu.memory_space<semaphore_mem>>) src(%dma_wait3A_350 : memref<100000xf32, #tpu.memory_space<hbm>>) dst(%arg7 : memref<100000xf32, #tpu.memory_space<vmem>>)
        tpu.yield
      }) : () -> ()
      %dma_wait3A = arith.constant 0 : i32
      %dma_wait3A_50 = tpu.memref_slice %arg4[%add3A_37, %dma_wait3A] : memref<26x16384xi32, #tpu.memory_space<hbm>> -> memref<1x2048xi32, #tpu.memory_space<hbm>>
      %dma_wait3A_51 = tpu.memref_squeeze %dma_wait3A_50 : memref<1x2048xi32, #tpu.memory_space<hbm>> -> memref<2048xi32, #tpu.memory_space<hbm>>
      %dma_wait3A_52 = arith.constant 0 : i32
      %dma_wait3A_53 = tpu.memref_slice %arg4[%add3A_37, %dma_wait3A_52] : memref<26x16384xi32, #tpu.memory_space<hbm>> -> memref<1x2048xi32, #tpu.memory_space<hbm>>
      %dma_wait3A_54 = tpu.memref_squeeze %dma_wait3A_53 : memref<1x2048xi32, #tpu.memory_space<hbm>> -> memref<2048xi32, #tpu.memory_space<hbm>>
      tpu.wait_dma2 semaphore(%arg12 : memref<!tpu.dma_semaphore, #tpu.memory_space<semaphore_mem>>) src(%dma_wait3A_54 : memref<2048xi32, #tpu.memory_space<hbm>>) dst(%arg8 : memref<2048xi32, #tpu.memory_space<vmem>>)
      %dma_start3A_55 = arith.constant 2048 : i32
      %dma_start3A_56 = tpu.memref_slice %arg4[%add3A_37, %dma_start3A_55] : memref<26x16384xi32, #tpu.memory_space<hbm>> -> memref<1x2048xi32, #tpu.memory_space<hbm>>
      %dma_start3A_57 = tpu.memref_squeeze %dma_start3A_56 : memref<1x2048xi32, #tpu.memory_space<hbm>> -> memref<2048xi32, #tpu.memory_space<hbm>>
      %dma_start3A_58 = arith.constant 2048 : i32
      %dma_start3A_59 = tpu.memref_slice %arg4[%add3A_37, %dma_start3A_58] : memref<26x16384xi32, #tpu.memory_space<hbm>> -> memref<1x2048xi32, #tpu.memory_space<hbm>>
      %dma_start3A_60 = tpu.memref_squeeze %dma_start3A_59 : memref<1x2048xi32, #tpu.memory_space<hbm>> -> memref<2048xi32, #tpu.memory_space<hbm>>
      tpu.enqueue_dma source(%dma_start3A_60 : memref<2048xi32, #tpu.memory_space<hbm>>) target(%arg9 : memref<2048xi32, #tpu.memory_space<vmem>>) target_semaphore(%arg13 : memref<!tpu.dma_semaphore, #tpu.memory_space<semaphore_mem>>)
      %scan3A_61 = arith.constant 0 : i32
      %scan3A_62 = arith.constant 128 : i32
      %scan3A_63 = arith.addi %scan3A_61, %scan3A_62 : i32
      %scan3A_64 = arith.constant 1 : i32
      scf.for %scan3A_339 = %scan3A_61 to %scan3A_63 step %scan3A_64  : i32 {
        %mul3A_340 = arith.constant 1 : i32
        %mul3A_341 = arith.muli %scan3A_339, %mul3A_340 : i32
        %add3A_342 = arith.constant 0 : i32
        %add3A_343 = arith.addi %add3A_342, %mul3A_341 : i32
        %mul3A_344 = arith.constant 16 : i32
        %mul3A_345 = arith.muli %add3A_343, %mul3A_344 : i32
        %get3A = arith.index_cast %mul3A_345 : i32 to index
        %get3A_346 = tpu.vector_load %arg8[%get3A] {strides = array<i32>} : memref<2048xi32, #tpu.memory_space<vmem>>, vector<16xi32>,
        %gather3A = tpu.vector_load_idx %arg7[%get3A_346] : memref<100000xf32, #tpu.memory_space<vmem>>[vector<16xi32>], vector<16xf32>,
        %mul3A_347 = arith.constant 16 : i32
        %mul3A_348 = arith.muli %add3A_343, %mul3A_347 : i32
        %swap3A = arith.index_cast %mul3A_348 : i32 to index
        %swap3A_349 = tpu.vector_load %arg10[%swap3A] {strides = array<i32>} : memref<2048xf32, #tpu.memory_space<vmem>>, vector<16xf32>,
        tpu.vector_store %arg10[%swap3A], %gather3A {strides = array<i32>} : memref<2048xf32, #tpu.memory_space<vmem>>, vector<16xf32>,
      }
      %scan3A_65 = arith.constant 128 : i32
      %dma_start3A_66 = arith.constant 0 : i32
      %dma_start3A_67 = tpu.memref_slice %arg6[%add3A_34, %select_n3A_28, %dma_start3A_66] : memref<4x8x16384xf32, #tpu.memory_space<hbm>> -> memref<1x1x16384xf32, #tpu.memory_space<hbm>>
      %dma_start3A_68 = tpu.memref_squeeze %dma_start3A_67 : memref<1x1x16384xf32, #tpu.memory_space<hbm>> -> memref<16384xf32, #tpu.memory_space<hbm>>
      %dma_start3A_69 = arith.constant 0 : i32
      %dma_start3A_70 = tpu.memref_slice %dma_start3A_68[%dma_start3A_69] : memref<16384xf32, #tpu.memory_space<hbm>> -> memref<2048xf32, #tpu.memory_space<hbm>>
      %dma_start3A_71 = arith.constant 0 : i32
      %dma_start3A_72 = tpu.memref_slice %arg6[%add3A_34, %select_n3A_28, %dma_start3A_71] : memref<4x8x16384xf32, #tpu.memory_space<hbm>> -> memref<1x1x16384xf32, #tpu.memory_space<hbm>>
      %dma_start3A_73 = tpu.memref_squeeze %dma_start3A_72 : memref<1x1x16384xf32, #tpu.memory_space<hbm>> -> memref<16384xf32, #tpu.memory_space<hbm>>
      %dma_start3A_74 = arith.constant 0 : i32
      %dma_start3A_75 = tpu.memref_slice %dma_start3A_73[%dma_start3A_74] : memref<16384xf32, #tpu.memory_space<hbm>> -> memref<2048xf32, #tpu.memory_space<hbm>>
      tpu.enqueue_dma source(%arg10 : memref<2048xf32, #tpu.memory_space<vmem>>) target(%dma_start3A_75 : memref<2048xf32, #tpu.memory_space<hbm>>) target_semaphore(%arg14 : memref<!tpu.dma_semaphore, #tpu.memory_space<semaphore_mem>>)
      %dma_wait3A_76 = arith.constant 2048 : i32
      %dma_wait3A_77 = tpu.memref_slice %arg4[%add3A_37, %dma_wait3A_76] : memref<26x16384xi32, #tpu.memory_space<hbm>> -> memref<1x2048xi32, #tpu.memory_space<hbm>>
      %dma_wait3A_78 = tpu.memref_squeeze %dma_wait3A_77 : memref<1x2048xi32, #tpu.memory_space<hbm>> -> memref<2048xi32, #tpu.memory_space<hbm>>
      %dma_wait3A_79 = arith.constant 2048 : i32
      %dma_wait3A_80 = tpu.memref_slice %arg4[%add3A_37, %dma_wait3A_79] : memref<26x16384xi32, #tpu.memory_space<hbm>> -> memref<1x2048xi32, #tpu.memory_space<hbm>>
      %dma_wait3A_81 = tpu.memref_squeeze %dma_wait3A_80 : memref<1x2048xi32, #tpu.memory_space<hbm>> -> memref<2048xi32, #tpu.memory_space<hbm>>
      tpu.wait_dma2 semaphore(%arg13 : memref<!tpu.dma_semaphore, #tpu.memory_space<semaphore_mem>>) src(%dma_wait3A_81 : memref<2048xi32, #tpu.memory_space<hbm>>) dst(%arg9 : memref<2048xi32, #tpu.memory_space<vmem>>)
      %dma_start3A_82 = arith.constant 4096 : i32
      %dma_start3A_83 = tpu.memref_slice %arg4[%add3A_37, %dma_start3A_82] : memref<26x16384xi32, #tpu.memory_space<hbm>> -> memref<1x2048xi32, #tpu.memory_space<hbm>>
      %dma_start3A_84 = tpu.memref_squeeze %dma_start3A_83 : memref<1x2048xi32, #tpu.memory_space<hbm>> -> memref<2048xi32, #tpu.memory_space<hbm>>
      %dma_start3A_85 = arith.constant 4096 : i32
      %dma_start3A_86 = tpu.memref_slice %arg4[%add3A_37, %dma_start3A_85] : memref<26x16384xi32, #tpu.memory_space<hbm>> -> memref<1x2048xi32, #tpu.memory_space<hbm>>
      %dma_start3A_87 = tpu.memref_squeeze %dma_start3A_86 : memref<1x2048xi32, #tpu.memory_space<hbm>> -> memref<2048xi32, #tpu.memory_space<hbm>>
      tpu.enqueue_dma source(%dma_start3A_87 : memref<2048xi32, #tpu.memory_space<hbm>>) target(%arg8 : memref<2048xi32, #tpu.memory_space<vmem>>) target_semaphore(%arg12 : memref<!tpu.dma_semaphore, #tpu.memory_space<semaphore_mem>>)
      %scan3A_88 = arith.constant 0 : i32
      %scan3A_89 = arith.constant 128 : i32
      %scan3A_90 = arith.addi %scan3A_88, %scan3A_89 : i32
      %scan3A_91 = arith.constant 1 : i32
      scf.for %scan3A_339 = %scan3A_88 to %scan3A_90 step %scan3A_91  : i32 {
        %mul3A_340 = arith.constant 1 : i32
        %mul3A_341 = arith.muli %scan3A_339, %mul3A_340 : i32
        %add3A_342 = arith.constant 0 : i32
        %add3A_343 = arith.addi %add3A_342, %mul3A_341 : i32
        %mul3A_344 = arith.constant 16 : i32
        %mul3A_345 = arith.muli %add3A_343, %mul3A_344 : i32
        %get3A = arith.index_cast %mul3A_345 : i32 to index
        %get3A_346 = tpu.vector_load %arg9[%get3A] {strides = array<i32>} : memref<2048xi32, #tpu.memory_space<vmem>>, vector<16xi32>,
        %gather3A = tpu.vector_load_idx %arg7[%get3A_346] : memref<100000xf32, #tpu.memory_space<vmem>>[vector<16xi32>], vector<16xf32>,
        %mul3A_347 = arith.constant 16 : i32
        %mul3A_348 = arith.muli %add3A_343, %mul3A_347 : i32
        %swap3A = arith.index_cast %mul3A_348 : i32 to index
        %swap3A_349 = tpu.vector_load %arg11[%swap3A] {strides = array<i32>} : memref<2048xf32, #tpu.memory_space<vmem>>, vector<16xf32>,
        tpu.vector_store %arg11[%swap3A], %gather3A {strides = array<i32>} : memref<2048xf32, #tpu.memory_space<vmem>>, vector<16xf32>,
      }
      %scan3A_92 = arith.constant 128 : i32
      %dma_start3A_93 = arith.constant 0 : i32
      %dma_start3A_94 = tpu.memref_slice %arg6[%add3A_34, %select_n3A_28, %dma_start3A_93] : memref<4x8x16384xf32, #tpu.memory_space<hbm>> -> memref<1x1x16384xf32, #tpu.memory_space<hbm>>
      %dma_start3A_95 = tpu.memref_squeeze %dma_start3A_94 : memref<1x1x16384xf32, #tpu.memory_space<hbm>> -> memref<16384xf32, #tpu.memory_space<hbm>>
      %dma_start3A_96 = arith.constant 2048 : i32
      %dma_start3A_97 = tpu.memref_slice %dma_start3A_95[%dma_start3A_96] : memref<16384xf32, #tpu.memory_space<hbm>> -> memref<2048xf32, #tpu.memory_space<hbm>>
      %dma_start3A_98 = arith.constant 0 : i32
      %dma_start3A_99 = tpu.memref_slice %arg6[%add3A_34, %select_n3A_28, %dma_start3A_98] : memref<4x8x16384xf32, #tpu.memory_space<hbm>> -> memref<1x1x16384xf32, #tpu.memory_space<hbm>>
      %dma_start3A_100 = tpu.memref_squeeze %dma_start3A_99 : memref<1x1x16384xf32, #tpu.memory_space<hbm>> -> memref<16384xf32, #tpu.memory_space<hbm>>
      %dma_start3A_101 = arith.constant 2048 : i32
      %dma_start3A_102 = tpu.memref_slice %dma_start3A_100[%dma_start3A_101] : memref<16384xf32, #tpu.memory_space<hbm>> -> memref<2048xf32, #tpu.memory_space<hbm>>
      tpu.enqueue_dma source(%arg11 : memref<2048xf32, #tpu.memory_space<vmem>>) target(%dma_start3A_102 : memref<2048xf32, #tpu.memory_space<hbm>>) target_semaphore(%arg15 : memref<!tpu.dma_semaphore, #tpu.memory_space<semaphore_mem>>)
      %dma_wait3A_103 = arith.constant 4096 : i32
      %dma_wait3A_104 = tpu.memref_slice %arg4[%add3A_37, %dma_wait3A_103] : memref<26x16384xi32, #tpu.memory_space<hbm>> -> memref<1x2048xi32, #tpu.memory_space<hbm>>
      %dma_wait3A_105 = tpu.memref_squeeze %dma_wait3A_104 : memref<1x2048xi32, #tpu.memory_space<hbm>> -> memref<2048xi32, #tpu.memory_space<hbm>>
      %dma_wait3A_106 = arith.constant 4096 : i32
      %dma_wait3A_107 = tpu.memref_slice %arg4[%add3A_37, %dma_wait3A_106] : memref<26x16384xi32, #tpu.memory_space<hbm>> -> memref<1x2048xi32, #tpu.memory_space<hbm>>
      %dma_wait3A_108 = tpu.memref_squeeze %dma_wait3A_107 : memref<1x2048xi32, #tpu.memory_space<hbm>> -> memref<2048xi32, #tpu.memory_space<hbm>>
      tpu.wait_dma2 semaphore(%arg12 : memref<!tpu.dma_semaphore, #tpu.memory_space<semaphore_mem>>) src(%dma_wait3A_108 : memref<2048xi32, #tpu.memory_space<hbm>>) dst(%arg8 : memref<2048xi32, #tpu.memory_space<vmem>>)
      %dma_start3A_109 = arith.constant 6144 : i32
      %dma_start3A_110 = tpu.memref_slice %arg4[%add3A_37, %dma_start3A_109] : memref<26x16384xi32, #tpu.memory_space<hbm>> -> memref<1x2048xi32, #tpu.memory_space<hbm>>
      %dma_start3A_111 = tpu.memref_squeeze %dma_start3A_110 : memref<1x2048xi32, #tpu.memory_space<hbm>> -> memref<2048xi32, #tpu.memory_space<hbm>>
      %dma_start3A_112 = arith.constant 6144 : i32
      %dma_start3A_113 = tpu.memref_slice %arg4[%add3A_37, %dma_start3A_112] : memref<26x16384xi32, #tpu.memory_space<hbm>> -> memref<1x2048xi32, #tpu.memory_space<hbm>>
      %dma_start3A_114 = tpu.memref_squeeze %dma_start3A_113 : memref<1x2048xi32, #tpu.memory_space<hbm>> -> memref<2048xi32, #tpu.memory_space<hbm>>
      tpu.enqueue_dma source(%dma_start3A_114 : memref<2048xi32, #tpu.memory_space<hbm>>) target(%arg9 : memref<2048xi32, #tpu.memory_space<vmem>>) target_semaphore(%arg13 : memref<!tpu.dma_semaphore, #tpu.memory_space<semaphore_mem>>)
      %dma_wait3A_115 = arith.constant 0 : i32
      %dma_wait3A_116 = tpu.memref_slice %arg6[%add3A_34, %select_n3A_28, %dma_wait3A_115] : memref<4x8x16384xf32, #tpu.memory_space<hbm>> -> memref<1x1x16384xf32, #tpu.memory_space<hbm>>
      %dma_wait3A_117 = tpu.memref_squeeze %dma_wait3A_116 : memref<1x1x16384xf32, #tpu.memory_space<hbm>> -> memref<16384xf32, #tpu.memory_space<hbm>>
      %dma_wait3A_118 = arith.constant 0 : i32
      %dma_wait3A_119 = tpu.memref_slice %dma_wait3A_117[%dma_wait3A_118] : memref<16384xf32, #tpu.memory_space<hbm>> -> memref<2048xf32, #tpu.memory_space<hbm>>
      %dma_wait3A_120 = arith.constant 0 : i32
      %dma_wait3A_121 = tpu.memref_slice %arg6[%add3A_34, %select_n3A_28, %dma_wait3A_120] : memref<4x8x16384xf32, #tpu.memory_space<hbm>> -> memref<1x1x16384xf32, #tpu.memory_space<hbm>>
      %dma_wait3A_122 = tpu.memref_squeeze %dma_wait3A_121 : memref<1x1x16384xf32, #tpu.memory_space<hbm>> -> memref<16384xf32, #tpu.memory_space<hbm>>
      %dma_wait3A_123 = arith.constant 0 : i32
      %dma_wait3A_124 = tpu.memref_slice %dma_wait3A_122[%dma_wait3A_123] : memref<16384xf32, #tpu.memory_space<hbm>> -> memref<2048xf32, #tpu.memory_space<hbm>>
      tpu.wait_dma2 semaphore(%arg14 : memref<!tpu.dma_semaphore, #tpu.memory_space<semaphore_mem>>) src(%arg10 : memref<2048xf32, #tpu.memory_space<vmem>>) dst(%dma_wait3A_124 : memref<2048xf32, #tpu.memory_space<hbm>>)
      %scan3A_125 = arith.constant 0 : i32
      %scan3A_126 = arith.constant 128 : i32
      %scan3A_127 = arith.addi %scan3A_125, %scan3A_126 : i32
      %scan3A_128 = arith.constant 1 : i32
      scf.for %scan3A_339 = %scan3A_125 to %scan3A_127 step %scan3A_128  : i32 {
        %mul3A_340 = arith.constant 1 : i32
        %mul3A_341 = arith.muli %scan3A_339, %mul3A_340 : i32
        %add3A_342 = arith.constant 0 : i32
        %add3A_343 = arith.addi %add3A_342, %mul3A_341 : i32
        %mul3A_344 = arith.constant 16 : i32
        %mul3A_345 = arith.muli %add3A_343, %mul3A_344 : i32
        %get3A = arith.index_cast %mul3A_345 : i32 to index
        %get3A_346 = tpu.vector_load %arg8[%get3A] {strides = array<i32>} : memref<2048xi32, #tpu.memory_space<vmem>>, vector<16xi32>,
        %gather3A = tpu.vector_load_idx %arg7[%get3A_346] : memref<100000xf32, #tpu.memory_space<vmem>>[vector<16xi32>], vector<16xf32>,
        %mul3A_347 = arith.constant 16 : i32
        %mul3A_348 = arith.muli %add3A_343, %mul3A_347 : i32
        %swap3A = arith.index_cast %mul3A_348 : i32 to index
        %swap3A_349 = tpu.vector_load %arg10[%swap3A] {strides = array<i32>} : memref<2048xf32, #tpu.memory_space<vmem>>, vector<16xf32>,
        tpu.vector_store %arg10[%swap3A], %gather3A {strides = array<i32>} : memref<2048xf32, #tpu.memory_space<vmem>>, vector<16xf32>,
      }
      %scan3A_129 = arith.constant 128 : i32
      %dma_start3A_130 = arith.constant 0 : i32
      %dma_start3A_131 = tpu.memref_slice %arg6[%add3A_34, %select_n3A_28, %dma_start3A_130] : memref<4x8x16384xf32, #tpu.memory_space<hbm>> -> memref<1x1x16384xf32, #tpu.memory_space<hbm>>
      %dma_start3A_132 = tpu.memref_squeeze %dma_start3A_131 : memref<1x1x16384xf32, #tpu.memory_space<hbm>> -> memref<16384xf32, #tpu.memory_space<hbm>>
      %dma_start3A_133 = arith.constant 4096 : i32
      %dma_start3A_134 = tpu.memref_slice %dma_start3A_132[%dma_start3A_133] : memref<16384xf32, #tpu.memory_space<hbm>> -> memref<2048xf32, #tpu.memory_space<hbm>>
      %dma_start3A_135 = arith.constant 0 : i32
      %dma_start3A_136 = tpu.memref_slice %arg6[%add3A_34, %select_n3A_28, %dma_start3A_135] : memref<4x8x16384xf32, #tpu.memory_space<hbm>> -> memref<1x1x16384xf32, #tpu.memory_space<hbm>>
      %dma_start3A_137 = tpu.memref_squeeze %dma_start3A_136 : memref<1x1x16384xf32, #tpu.memory_space<hbm>> -> memref<16384xf32, #tpu.memory_space<hbm>>
      %dma_start3A_138 = arith.constant 4096 : i32
      %dma_start3A_139 = tpu.memref_slice %dma_start3A_137[%dma_start3A_138] : memref<16384xf32, #tpu.memory_space<hbm>> -> memref<2048xf32, #tpu.memory_space<hbm>>
      tpu.enqueue_dma source(%arg10 : memref<2048xf32, #tpu.memory_space<vmem>>) target(%dma_start3A_139 : memref<2048xf32, #tpu.memory_space<hbm>>) target_semaphore(%arg14 : memref<!tpu.dma_semaphore, #tpu.memory_space<semaphore_mem>>)
      %dma_wait3A_140 = arith.constant 6144 : i32
      %dma_wait3A_141 = tpu.memref_slice %arg4[%add3A_37, %dma_wait3A_140] : memref<26x16384xi32, #tpu.memory_space<hbm>> -> memref<1x2048xi32, #tpu.memory_space<hbm>>
      %dma_wait3A_142 = tpu.memref_squeeze %dma_wait3A_141 : memref<1x2048xi32, #tpu.memory_space<hbm>> -> memref<2048xi32, #tpu.memory_space<hbm>>
      %dma_wait3A_143 = arith.constant 6144 : i32
      %dma_wait3A_144 = tpu.memref_slice %arg4[%add3A_37, %dma_wait3A_143] : memref<26x16384xi32, #tpu.memory_space<hbm>> -> memref<1x2048xi32, #tpu.memory_space<hbm>>
      %dma_wait3A_145 = tpu.memref_squeeze %dma_wait3A_144 : memref<1x2048xi32, #tpu.memory_space<hbm>> -> memref<2048xi32, #tpu.memory_space<hbm>>
      tpu.wait_dma2 semaphore(%arg13 : memref<!tpu.dma_semaphore, #tpu.memory_space<semaphore_mem>>) src(%dma_wait3A_145 : memref<2048xi32, #tpu.memory_space<hbm>>) dst(%arg9 : memref<2048xi32, #tpu.memory_space<vmem>>)
      %dma_start3A_146 = arith.constant 8192 : i32
      %dma_start3A_147 = tpu.memref_slice %arg4[%add3A_37, %dma_start3A_146] : memref<26x16384xi32, #tpu.memory_space<hbm>> -> memref<1x2048xi32, #tpu.memory_space<hbm>>
      %dma_start3A_148 = tpu.memref_squeeze %dma_start3A_147 : memref<1x2048xi32, #tpu.memory_space<hbm>> -> memref<2048xi32, #tpu.memory_space<hbm>>
      %dma_start3A_149 = arith.constant 8192 : i32
      %dma_start3A_150 = tpu.memref_slice %arg4[%add3A_37, %dma_start3A_149] : memref<26x16384xi32, #tpu.memory_space<hbm>> -> memref<1x2048xi32, #tpu.memory_space<hbm>>
      %dma_start3A_151 = tpu.memref_squeeze %dma_start3A_150 : memref<1x2048xi32, #tpu.memory_space<hbm>> -> memref<2048xi32, #tpu.memory_space<hbm>>
      tpu.enqueue_dma source(%dma_start3A_151 : memref<2048xi32, #tpu.memory_space<hbm>>) target(%arg8 : memref<2048xi32, #tpu.memory_space<vmem>>) target_semaphore(%arg12 : memref<!tpu.dma_semaphore, #tpu.memory_space<semaphore_mem>>)
      %dma_wait3A_152 = arith.constant 0 : i32
      %dma_wait3A_153 = tpu.memref_slice %arg6[%add3A_34, %select_n3A_28, %dma_wait3A_152] : memref<4x8x16384xf32, #tpu.memory_space<hbm>> -> memref<1x1x16384xf32, #tpu.memory_space<hbm>>
      %dma_wait3A_154 = tpu.memref_squeeze %dma_wait3A_153 : memref<1x1x16384xf32, #tpu.memory_space<hbm>> -> memref<16384xf32, #tpu.memory_space<hbm>>
      %dma_wait3A_155 = arith.constant 2048 : i32
      %dma_wait3A_156 = tpu.memref_slice %dma_wait3A_154[%dma_wait3A_155] : memref<16384xf32, #tpu.memory_space<hbm>> -> memref<2048xf32, #tpu.memory_space<hbm>>
      %dma_wait3A_157 = arith.constant 0 : i32
      %dma_wait3A_158 = tpu.memref_slice %arg6[%add3A_34, %select_n3A_28, %dma_wait3A_157] : memref<4x8x16384xf32, #tpu.memory_space<hbm>> -> memref<1x1x16384xf32, #tpu.memory_space<hbm>>
      %dma_wait3A_159 = tpu.memref_squeeze %dma_wait3A_158 : memref<1x1x16384xf32, #tpu.memory_space<hbm>> -> memref<16384xf32, #tpu.memory_space<hbm>>
      %dma_wait3A_160 = arith.constant 2048 : i32
      %dma_wait3A_161 = tpu.memref_slice %dma_wait3A_159[%dma_wait3A_160] : memref<16384xf32, #tpu.memory_space<hbm>> -> memref<2048xf32, #tpu.memory_space<hbm>>
      tpu.wait_dma2 semaphore(%arg15 : memref<!tpu.dma_semaphore, #tpu.memory_space<semaphore_mem>>) src(%arg11 : memref<2048xf32, #tpu.memory_space<vmem>>) dst(%dma_wait3A_161 : memref<2048xf32, #tpu.memory_space<hbm>>)
      %scan3A_162 = arith.constant 0 : i32
      %scan3A_163 = arith.constant 128 : i32
      %scan3A_164 = arith.addi %scan3A_162, %scan3A_163 : i32
      %scan3A_165 = arith.constant 1 : i32
      scf.for %scan3A_339 = %scan3A_162 to %scan3A_164 step %scan3A_165  : i32 {
        %mul3A_340 = arith.constant 1 : i32
        %mul3A_341 = arith.muli %scan3A_339, %mul3A_340 : i32
        %add3A_342 = arith.constant 0 : i32
        %add3A_343 = arith.addi %add3A_342, %mul3A_341 : i32
        %mul3A_344 = arith.constant 16 : i32
        %mul3A_345 = arith.muli %add3A_343, %mul3A_344 : i32
        %get3A = arith.index_cast %mul3A_345 : i32 to index
        %get3A_346 = tpu.vector_load %arg9[%get3A] {strides = array<i32>} : memref<2048xi32, #tpu.memory_space<vmem>>, vector<16xi32>,
        %gather3A = tpu.vector_load_idx %arg7[%get3A_346] : memref<100000xf32, #tpu.memory_space<vmem>>[vector<16xi32>], vector<16xf32>,
        %mul3A_347 = arith.constant 16 : i32
        %mul3A_348 = arith.muli %add3A_343, %mul3A_347 : i32
        %swap3A = arith.index_cast %mul3A_348 : i32 to index
        %swap3A_349 = tpu.vector_load %arg11[%swap3A] {strides = array<i32>} : memref<2048xf32, #tpu.memory_space<vmem>>, vector<16xf32>,
        tpu.vector_store %arg11[%swap3A], %gather3A {strides = array<i32>} : memref<2048xf32, #tpu.memory_space<vmem>>, vector<16xf32>,
      }
      %scan3A_166 = arith.constant 128 : i32
      %dma_start3A_167 = arith.constant 0 : i32
      %dma_start3A_168 = tpu.memref_slice %arg6[%add3A_34, %select_n3A_28, %dma_start3A_167] : memref<4x8x16384xf32, #tpu.memory_space<hbm>> -> memref<1x1x16384xf32, #tpu.memory_space<hbm>>
      %dma_start3A_169 = tpu.memref_squeeze %dma_start3A_168 : memref<1x1x16384xf32, #tpu.memory_space<hbm>> -> memref<16384xf32, #tpu.memory_space<hbm>>
      %dma_start3A_170 = arith.constant 6144 : i32
      %dma_start3A_171 = tpu.memref_slice %dma_start3A_169[%dma_start3A_170] : memref<16384xf32, #tpu.memory_space<hbm>> -> memref<2048xf32, #tpu.memory_space<hbm>>
      %dma_start3A_172 = arith.constant 0 : i32
      %dma_start3A_173 = tpu.memref_slice %arg6[%add3A_34, %select_n3A_28, %dma_start3A_172] : memref<4x8x16384xf32, #tpu.memory_space<hbm>> -> memref<1x1x16384xf32, #tpu.memory_space<hbm>>
      %dma_start3A_174 = tpu.memref_squeeze %dma_start3A_173 : memref<1x1x16384xf32, #tpu.memory_space<hbm>> -> memref<16384xf32, #tpu.memory_space<hbm>>
      %dma_start3A_175 = arith.constant 6144 : i32
      %dma_start3A_176 = tpu.memref_slice %dma_start3A_174[%dma_start3A_175] : memref<16384xf32, #tpu.memory_space<hbm>> -> memref<2048xf32, #tpu.memory_space<hbm>>
      tpu.enqueue_dma source(%arg11 : memref<2048xf32, #tpu.memory_space<vmem>>) target(%dma_start3A_176 : memref<2048xf32, #tpu.memory_space<hbm>>) target_semaphore(%arg15 : memref<!tpu.dma_semaphore, #tpu.memory_space<semaphore_mem>>)
      %dma_wait3A_177 = arith.constant 8192 : i32
      %dma_wait3A_178 = tpu.memref_slice %arg4[%add3A_37, %dma_wait3A_177] : memref<26x16384xi32, #tpu.memory_space<hbm>> -> memref<1x2048xi32, #tpu.memory_space<hbm>>
      %dma_wait3A_179 = tpu.memref_squeeze %dma_wait3A_178 : memref<1x2048xi32, #tpu.memory_space<hbm>> -> memref<2048xi32, #tpu.memory_space<hbm>>
      %dma_wait3A_180 = arith.constant 8192 : i32
      %dma_wait3A_181 = tpu.memref_slice %arg4[%add3A_37, %dma_wait3A_180] : memref<26x16384xi32, #tpu.memory_space<hbm>> -> memref<1x2048xi32, #tpu.memory_space<hbm>>
      %dma_wait3A_182 = tpu.memref_squeeze %dma_wait3A_181 : memref<1x2048xi32, #tpu.memory_space<hbm>> -> memref<2048xi32, #tpu.memory_space<hbm>>
      tpu.wait_dma2 semaphore(%arg12 : memref<!tpu.dma_semaphore, #tpu.memory_space<semaphore_mem>>) src(%dma_wait3A_182 : memref<2048xi32, #tpu.memory_space<hbm>>) dst(%arg8 : memref<2048xi32, #tpu.memory_space<vmem>>)
      %dma_start3A_183 = arith.constant 10240 : i32
      %dma_start3A_184 = tpu.memref_slice %arg4[%add3A_37, %dma_start3A_183] : memref<26x16384xi32, #tpu.memory_space<hbm>> -> memref<1x2048xi32, #tpu.memory_space<hbm>>
      %dma_start3A_185 = tpu.memref_squeeze %dma_start3A_184 : memref<1x2048xi32, #tpu.memory_space<hbm>> -> memref<2048xi32, #tpu.memory_space<hbm>>
      %dma_start3A_186 = arith.constant 10240 : i32
      %dma_start3A_187 = tpu.memref_slice %arg4[%add3A_37, %dma_start3A_186] : memref<26x16384xi32, #tpu.memory_space<hbm>> -> memref<1x2048xi32, #tpu.memory_space<hbm>>
      %dma_start3A_188 = tpu.memref_squeeze %dma_start3A_187 : memref<1x2048xi32, #tpu.memory_space<hbm>> -> memref<2048xi32, #tpu.memory_space<hbm>>
      tpu.enqueue_dma source(%dma_start3A_188 : memref<2048xi32, #tpu.memory_space<hbm>>) target(%arg9 : memref<2048xi32, #tpu.memory_space<vmem>>) target_semaphore(%arg13 : memref<!tpu.dma_semaphore, #tpu.memory_space<semaphore_mem>>)
      %dma_wait3A_189 = arith.constant 0 : i32
      %dma_wait3A_190 = tpu.memref_slice %arg6[%add3A_34, %select_n3A_28, %dma_wait3A_189] : memref<4x8x16384xf32, #tpu.memory_space<hbm>> -> memref<1x1x16384xf32, #tpu.memory_space<hbm>>
      %dma_wait3A_191 = tpu.memref_squeeze %dma_wait3A_190 : memref<1x1x16384xf32, #tpu.memory_space<hbm>> -> memref<16384xf32, #tpu.memory_space<hbm>>
      %dma_wait3A_192 = arith.constant 4096 : i32
      %dma_wait3A_193 = tpu.memref_slice %dma_wait3A_191[%dma_wait3A_192] : memref<16384xf32, #tpu.memory_space<hbm>> -> memref<2048xf32, #tpu.memory_space<hbm>>
      %dma_wait3A_194 = arith.constant 0 : i32
      %dma_wait3A_195 = tpu.memref_slice %arg6[%add3A_34, %select_n3A_28, %dma_wait3A_194] : memref<4x8x16384xf32, #tpu.memory_space<hbm>> -> memref<1x1x16384xf32, #tpu.memory_space<hbm>>
      %dma_wait3A_196 = tpu.memref_squeeze %dma_wait3A_195 : memref<1x1x16384xf32, #tpu.memory_space<hbm>> -> memref<16384xf32, #tpu.memory_space<hbm>>
      %dma_wait3A_197 = arith.constant 4096 : i32
      %dma_wait3A_198 = tpu.memref_slice %dma_wait3A_196[%dma_wait3A_197] : memref<16384xf32, #tpu.memory_space<hbm>> -> memref<2048xf32, #tpu.memory_space<hbm>>
      tpu.wait_dma2 semaphore(%arg14 : memref<!tpu.dma_semaphore, #tpu.memory_space<semaphore_mem>>) src(%arg10 : memref<2048xf32, #tpu.memory_space<vmem>>) dst(%dma_wait3A_198 : memref<2048xf32, #tpu.memory_space<hbm>>)
      %scan3A_199 = arith.constant 0 : i32
      %scan3A_200 = arith.constant 128 : i32
      %scan3A_201 = arith.addi %scan3A_199, %scan3A_200 : i32
      %scan3A_202 = arith.constant 1 : i32
      scf.for %scan3A_339 = %scan3A_199 to %scan3A_201 step %scan3A_202  : i32 {
        %mul3A_340 = arith.constant 1 : i32
        %mul3A_341 = arith.muli %scan3A_339, %mul3A_340 : i32
        %add3A_342 = arith.constant 0 : i32
        %add3A_343 = arith.addi %add3A_342, %mul3A_341 : i32
        %mul3A_344 = arith.constant 16 : i32
        %mul3A_345 = arith.muli %add3A_343, %mul3A_344 : i32
        %get3A = arith.index_cast %mul3A_345 : i32 to index
        %get3A_346 = tpu.vector_load %arg8[%get3A] {strides = array<i32>} : memref<2048xi32, #tpu.memory_space<vmem>>, vector<16xi32>,
        %gather3A = tpu.vector_load_idx %arg7[%get3A_346] : memref<100000xf32, #tpu.memory_space<vmem>>[vector<16xi32>], vector<16xf32>,
        %mul3A_347 = arith.constant 16 : i32
        %mul3A_348 = arith.muli %add3A_343, %mul3A_347 : i32
        %swap3A = arith.index_cast %mul3A_348 : i32 to index
        %swap3A_349 = tpu.vector_load %arg10[%swap3A] {strides = array<i32>} : memref<2048xf32, #tpu.memory_space<vmem>>, vector<16xf32>,
        tpu.vector_store %arg10[%swap3A], %gather3A {strides = array<i32>} : memref<2048xf32, #tpu.memory_space<vmem>>, vector<16xf32>,
      }
      %scan3A_203 = arith.constant 128 : i32
      %dma_start3A_204 = arith.constant 0 : i32
      %dma_start3A_205 = tpu.memref_slice %arg6[%add3A_34, %select_n3A_28, %dma_start3A_204] : memref<4x8x16384xf32, #tpu.memory_space<hbm>> -> memref<1x1x16384xf32, #tpu.memory_space<hbm>>
      %dma_start3A_206 = tpu.memref_squeeze %dma_start3A_205 : memref<1x1x16384xf32, #tpu.memory_space<hbm>> -> memref<16384xf32, #tpu.memory_space<hbm>>
      %dma_start3A_207 = arith.constant 8192 : i32
      %dma_start3A_208 = tpu.memref_slice %dma_start3A_206[%dma_start3A_207] : memref<16384xf32, #tpu.memory_space<hbm>> -> memref<2048xf32, #tpu.memory_space<hbm>>
      %dma_start3A_209 = arith.constant 0 : i32
      %dma_start3A_210 = tpu.memref_slice %arg6[%add3A_34, %select_n3A_28, %dma_start3A_209] : memref<4x8x16384xf32, #tpu.memory_space<hbm>> -> memref<1x1x16384xf32, #tpu.memory_space<hbm>>
      %dma_start3A_211 = tpu.memref_squeeze %dma_start3A_210 : memref<1x1x16384xf32, #tpu.memory_space<hbm>> -> memref<16384xf32, #tpu.memory_space<hbm>>
      %dma_start3A_212 = arith.constant 8192 : i32
      %dma_start3A_213 = tpu.memref_slice %dma_start3A_211[%dma_start3A_212] : memref<16384xf32, #tpu.memory_space<hbm>> -> memref<2048xf32, #tpu.memory_space<hbm>>
      tpu.enqueue_dma source(%arg10 : memref<2048xf32, #tpu.memory_space<vmem>>) target(%dma_start3A_213 : memref<2048xf32, #tpu.memory_space<hbm>>) target_semaphore(%arg14 : memref<!tpu.dma_semaphore, #tpu.memory_space<semaphore_mem>>)
      %dma_wait3A_214 = arith.constant 10240 : i32
      %dma_wait3A_215 = tpu.memref_slice %arg4[%add3A_37, %dma_wait3A_214] : memref<26x16384xi32, #tpu.memory_space<hbm>> -> memref<1x2048xi32, #tpu.memory_space<hbm>>
      %dma_wait3A_216 = tpu.memref_squeeze %dma_wait3A_215 : memref<1x2048xi32, #tpu.memory_space<hbm>> -> memref<2048xi32, #tpu.memory_space<hbm>>
      %dma_wait3A_217 = arith.constant 10240 : i32
      %dma_wait3A_218 = tpu.memref_slice %arg4[%add3A_37, %dma_wait3A_217] : memref<26x16384xi32, #tpu.memory_space<hbm>> -> memref<1x2048xi32, #tpu.memory_space<hbm>>
      %dma_wait3A_219 = tpu.memref_squeeze %dma_wait3A_218 : memref<1x2048xi32, #tpu.memory_space<hbm>> -> memref<2048xi32, #tpu.memory_space<hbm>>
      tpu.wait_dma2 semaphore(%arg13 : memref<!tpu.dma_semaphore, #tpu.memory_space<semaphore_mem>>) src(%dma_wait3A_219 : memref<2048xi32, #tpu.memory_space<hbm>>) dst(%arg9 : memref<2048xi32, #tpu.memory_space<vmem>>)
      %dma_start3A_220 = arith.constant 12288 : i32
      %dma_start3A_221 = tpu.memref_slice %arg4[%add3A_37, %dma_start3A_220] : memref<26x16384xi32, #tpu.memory_space<hbm>> -> memref<1x2048xi32, #tpu.memory_space<hbm>>
      %dma_start3A_222 = tpu.memref_squeeze %dma_start3A_221 : memref<1x2048xi32, #tpu.memory_space<hbm>> -> memref<2048xi32, #tpu.memory_space<hbm>>
      %dma_start3A_223 = arith.constant 12288 : i32
      %dma_start3A_224 = tpu.memref_slice %arg4[%add3A_37, %dma_start3A_223] : memref<26x16384xi32, #tpu.memory_space<hbm>> -> memref<1x2048xi32, #tpu.memory_space<hbm>>
      %dma_start3A_225 = tpu.memref_squeeze %dma_start3A_224 : memref<1x2048xi32, #tpu.memory_space<hbm>> -> memref<2048xi32, #tpu.memory_space<hbm>>
      tpu.enqueue_dma source(%dma_start3A_225 : memref<2048xi32, #tpu.memory_space<hbm>>) target(%arg8 : memref<2048xi32, #tpu.memory_space<vmem>>) target_semaphore(%arg12 : memref<!tpu.dma_semaphore, #tpu.memory_space<semaphore_mem>>)
      %dma_wait3A_226 = arith.constant 0 : i32
      %dma_wait3A_227 = tpu.memref_slice %arg6[%add3A_34, %select_n3A_28, %dma_wait3A_226] : memref<4x8x16384xf32, #tpu.memory_space<hbm>> -> memref<1x1x16384xf32, #tpu.memory_space<hbm>>
      %dma_wait3A_228 = tpu.memref_squeeze %dma_wait3A_227 : memref<1x1x16384xf32, #tpu.memory_space<hbm>> -> memref<16384xf32, #tpu.memory_space<hbm>>
      %dma_wait3A_229 = arith.constant 6144 : i32
      %dma_wait3A_230 = tpu.memref_slice %dma_wait3A_228[%dma_wait3A_229] : memref<16384xf32, #tpu.memory_space<hbm>> -> memref<2048xf32, #tpu.memory_space<hbm>>
      %dma_wait3A_231 = arith.constant 0 : i32
      %dma_wait3A_232 = tpu.memref_slice %arg6[%add3A_34, %select_n3A_28, %dma_wait3A_231] : memref<4x8x16384xf32, #tpu.memory_space<hbm>> -> memref<1x1x16384xf32, #tpu.memory_space<hbm>>
      %dma_wait3A_233 = tpu.memref_squeeze %dma_wait3A_232 : memref<1x1x16384xf32, #tpu.memory_space<hbm>> -> memref<16384xf32, #tpu.memory_space<hbm>>
      %dma_wait3A_234 = arith.constant 6144 : i32
      %dma_wait3A_235 = tpu.memref_slice %dma_wait3A_233[%dma_wait3A_234] : memref<16384xf32, #tpu.memory_space<hbm>> -> memref<2048xf32, #tpu.memory_space<hbm>>
      tpu.wait_dma2 semaphore(%arg15 : memref<!tpu.dma_semaphore, #tpu.memory_space<semaphore_mem>>) src(%arg11 : memref<2048xf32, #tpu.memory_space<vmem>>) dst(%dma_wait3A_235 : memref<2048xf32, #tpu.memory_space<hbm>>)
      %scan3A_236 = arith.constant 0 : i32
      %scan3A_237 = arith.constant 128 : i32
      %scan3A_238 = arith.addi %scan3A_236, %scan3A_237 : i32
      %scan3A_239 = arith.constant 1 : i32
      scf.for %scan3A_339 = %scan3A_236 to %scan3A_238 step %scan3A_239  : i32 {
        %mul3A_340 = arith.constant 1 : i32
        %mul3A_341 = arith.muli %scan3A_339, %mul3A_340 : i32
        %add3A_342 = arith.constant 0 : i32
        %add3A_343 = arith.addi %add3A_342, %mul3A_341 : i32
        %mul3A_344 = arith.constant 16 : i32
        %mul3A_345 = arith.muli %add3A_343, %mul3A_344 : i32
        %get3A = arith.index_cast %mul3A_345 : i32 to index
        %get3A_346 = tpu.vector_load %arg9[%get3A] {strides = array<i32>} : memref<2048xi32, #tpu.memory_space<vmem>>, vector<16xi32>,
        %gather3A = tpu.vector_load_idx %arg7[%get3A_346] : memref<100000xf32, #tpu.memory_space<vmem>>[vector<16xi32>], vector<16xf32>,
        %mul3A_347 = arith.constant 16 : i32
        %mul3A_348 = arith.muli %add3A_343, %mul3A_347 : i32
        %swap3A = arith.index_cast %mul3A_348 : i32 to index
        %swap3A_349 = tpu.vector_load %arg11[%swap3A] {strides = array<i32>} : memref<2048xf32, #tpu.memory_space<vmem>>, vector<16xf32>,
        tpu.vector_store %arg11[%swap3A], %gather3A {strides = array<i32>} : memref<2048xf32, #tpu.memory_space<vmem>>, vector<16xf32>,
      }
      %scan3A_240 = arith.constant 128 : i32
      %dma_start3A_241 = arith.constant 0 : i32
      %dma_start3A_242 = tpu.memref_slice %arg6[%add3A_34, %select_n3A_28, %dma_start3A_241] : memref<4x8x16384xf32, #tpu.memory_space<hbm>> -> memref<1x1x16384xf32, #tpu.memory_space<hbm>>
      %dma_start3A_243 = tpu.memref_squeeze %dma_start3A_242 : memref<1x1x16384xf32, #tpu.memory_space<hbm>> -> memref<16384xf32, #tpu.memory_space<hbm>>
      %dma_start3A_244 = arith.constant 10240 : i32
      %dma_start3A_245 = tpu.memref_slice %dma_start3A_243[%dma_start3A_244] : memref<16384xf32, #tpu.memory_space<hbm>> -> memref<2048xf32, #tpu.memory_space<hbm>>
      %dma_start3A_246 = arith.constant 0 : i32
      %dma_start3A_247 = tpu.memref_slice %arg6[%add3A_34, %select_n3A_28, %dma_start3A_246] : memref<4x8x16384xf32, #tpu.memory_space<hbm>> -> memref<1x1x16384xf32, #tpu.memory_space<hbm>>
      %dma_start3A_248 = tpu.memref_squeeze %dma_start3A_247 : memref<1x1x16384xf32, #tpu.memory_space<hbm>> -> memref<16384xf32, #tpu.memory_space<hbm>>
      %dma_start3A_249 = arith.constant 10240 : i32
      %dma_start3A_250 = tpu.memref_slice %dma_start3A_248[%dma_start3A_249] : memref<16384xf32, #tpu.memory_space<hbm>> -> memref<2048xf32, #tpu.memory_space<hbm>>
      tpu.enqueue_dma source(%arg11 : memref<2048xf32, #tpu.memory_space<vmem>>) target(%dma_start3A_250 : memref<2048xf32, #tpu.memory_space<hbm>>) target_semaphore(%arg15 : memref<!tpu.dma_semaphore, #tpu.memory_space<semaphore_mem>>)
      %dma_wait3A_251 = arith.constant 12288 : i32
      %dma_wait3A_252 = tpu.memref_slice %arg4[%add3A_37, %dma_wait3A_251] : memref<26x16384xi32, #tpu.memory_space<hbm>> -> memref<1x2048xi32, #tpu.memory_space<hbm>>
      %dma_wait3A_253 = tpu.memref_squeeze %dma_wait3A_252 : memref<1x2048xi32, #tpu.memory_space<hbm>> -> memref<2048xi32, #tpu.memory_space<hbm>>
      %dma_wait3A_254 = arith.constant 12288 : i32
      %dma_wait3A_255 = tpu.memref_slice %arg4[%add3A_37, %dma_wait3A_254] : memref<26x16384xi32, #tpu.memory_space<hbm>> -> memref<1x2048xi32, #tpu.memory_space<hbm>>
      %dma_wait3A_256 = tpu.memref_squeeze %dma_wait3A_255 : memref<1x2048xi32, #tpu.memory_space<hbm>> -> memref<2048xi32, #tpu.memory_space<hbm>>
      tpu.wait_dma2 semaphore(%arg12 : memref<!tpu.dma_semaphore, #tpu.memory_space<semaphore_mem>>) src(%dma_wait3A_256 : memref<2048xi32, #tpu.memory_space<hbm>>) dst(%arg8 : memref<2048xi32, #tpu.memory_space<vmem>>)
      %dma_start3A_257 = arith.constant 14336 : i32
      %dma_start3A_258 = tpu.memref_slice %arg4[%add3A_37, %dma_start3A_257] : memref<26x16384xi32, #tpu.memory_space<hbm>> -> memref<1x2048xi32, #tpu.memory_space<hbm>>
      %dma_start3A_259 = tpu.memref_squeeze %dma_start3A_258 : memref<1x2048xi32, #tpu.memory_space<hbm>> -> memref<2048xi32, #tpu.memory_space<hbm>>
      %dma_start3A_260 = arith.constant 14336 : i32
      %dma_start3A_261 = tpu.memref_slice %arg4[%add3A_37, %dma_start3A_260] : memref<26x16384xi32, #tpu.memory_space<hbm>> -> memref<1x2048xi32, #tpu.memory_space<hbm>>
      %dma_start3A_262 = tpu.memref_squeeze %dma_start3A_261 : memref<1x2048xi32, #tpu.memory_space<hbm>> -> memref<2048xi32, #tpu.memory_space<hbm>>
      tpu.enqueue_dma source(%dma_start3A_262 : memref<2048xi32, #tpu.memory_space<hbm>>) target(%arg9 : memref<2048xi32, #tpu.memory_space<vmem>>) target_semaphore(%arg13 : memref<!tpu.dma_semaphore, #tpu.memory_space<semaphore_mem>>)
      %dma_wait3A_263 = arith.constant 0 : i32
      %dma_wait3A_264 = tpu.memref_slice %arg6[%add3A_34, %select_n3A_28, %dma_wait3A_263] : memref<4x8x16384xf32, #tpu.memory_space<hbm>> -> memref<1x1x16384xf32, #tpu.memory_space<hbm>>
      %dma_wait3A_265 = tpu.memref_squeeze %dma_wait3A_264 : memref<1x1x16384xf32, #tpu.memory_space<hbm>> -> memref<16384xf32, #tpu.memory_space<hbm>>
      %dma_wait3A_266 = arith.constant 8192 : i32
      %dma_wait3A_267 = tpu.memref_slice %dma_wait3A_265[%dma_wait3A_266] : memref<16384xf32, #tpu.memory_space<hbm>> -> memref<2048xf32, #tpu.memory_space<hbm>>
      %dma_wait3A_268 = arith.constant 0 : i32
      %dma_wait3A_269 = tpu.memref_slice %arg6[%add3A_34, %select_n3A_28, %dma_wait3A_268] : memref<4x8x16384xf32, #tpu.memory_space<hbm>> -> memref<1x1x16384xf32, #tpu.memory_space<hbm>>
      %dma_wait3A_270 = tpu.memref_squeeze %dma_wait3A_269 : memref<1x1x16384xf32, #tpu.memory_space<hbm>> -> memref<16384xf32, #tpu.memory_space<hbm>>
      %dma_wait3A_271 = arith.constant 8192 : i32
      %dma_wait3A_272 = tpu.memref_slice %dma_wait3A_270[%dma_wait3A_271] : memref<16384xf32, #tpu.memory_space<hbm>> -> memref<2048xf32, #tpu.memory_space<hbm>>
      tpu.wait_dma2 semaphore(%arg14 : memref<!tpu.dma_semaphore, #tpu.memory_space<semaphore_mem>>) src(%arg10 : memref<2048xf32, #tpu.memory_space<vmem>>) dst(%dma_wait3A_272 : memref<2048xf32, #tpu.memory_space<hbm>>)
      %scan3A_273 = arith.constant 0 : i32
      %scan3A_274 = arith.constant 128 : i32
      %scan3A_275 = arith.addi %scan3A_273, %scan3A_274 : i32
      %scan3A_276 = arith.constant 1 : i32
      scf.for %scan3A_339 = %scan3A_273 to %scan3A_275 step %scan3A_276  : i32 {
        %mul3A_340 = arith.constant 1 : i32
        %mul3A_341 = arith.muli %scan3A_339, %mul3A_340 : i32
        %add3A_342 = arith.constant 0 : i32
        %add3A_343 = arith.addi %add3A_342, %mul3A_341 : i32
        %mul3A_344 = arith.constant 16 : i32
        %mul3A_345 = arith.muli %add3A_343, %mul3A_344 : i32
        %get3A = arith.index_cast %mul3A_345 : i32 to index
        %get3A_346 = tpu.vector_load %arg8[%get3A] {strides = array<i32>} : memref<2048xi32, #tpu.memory_space<vmem>>, vector<16xi32>,
        %gather3A = tpu.vector_load_idx %arg7[%get3A_346] : memref<100000xf32, #tpu.memory_space<vmem>>[vector<16xi32>], vector<16xf32>,
        %mul3A_347 = arith.constant 16 : i32
        %mul3A_348 = arith.muli %add3A_343, %mul3A_347 : i32
        %swap3A = arith.index_cast %mul3A_348 : i32 to index
        %swap3A_349 = tpu.vector_load %arg10[%swap3A] {strides = array<i32>} : memref<2048xf32, #tpu.memory_space<vmem>>, vector<16xf32>,
        tpu.vector_store %arg10[%swap3A], %gather3A {strides = array<i32>} : memref<2048xf32, #tpu.memory_space<vmem>>, vector<16xf32>,
      }
      %scan3A_277 = arith.constant 128 : i32
      %dma_start3A_278 = arith.constant 0 : i32
      %dma_start3A_279 = tpu.memref_slice %arg6[%add3A_34, %select_n3A_28, %dma_start3A_278] : memref<4x8x16384xf32, #tpu.memory_space<hbm>> -> memref<1x1x16384xf32, #tpu.memory_space<hbm>>
      %dma_start3A_280 = tpu.memref_squeeze %dma_start3A_279 : memref<1x1x16384xf32, #tpu.memory_space<hbm>> -> memref<16384xf32, #tpu.memory_space<hbm>>
      %dma_start3A_281 = arith.constant 12288 : i32
      %dma_start3A_282 = tpu.memref_slice %dma_start3A_280[%dma_start3A_281] : memref<16384xf32, #tpu.memory_space<hbm>> -> memref<2048xf32, #tpu.memory_space<hbm>>
      %dma_start3A_283 = arith.constant 0 : i32
      %dma_start3A_284 = tpu.memref_slice %arg6[%add3A_34, %select_n3A_28, %dma_start3A_283] : memref<4x8x16384xf32, #tpu.memory_space<hbm>> -> memref<1x1x16384xf32, #tpu.memory_space<hbm>>
      %dma_start3A_285 = tpu.memref_squeeze %dma_start3A_284 : memref<1x1x16384xf32, #tpu.memory_space<hbm>> -> memref<16384xf32, #tpu.memory_space<hbm>>
      %dma_start3A_286 = arith.constant 12288 : i32
      %dma_start3A_287 = tpu.memref_slice %dma_start3A_285[%dma_start3A_286] : memref<16384xf32, #tpu.memory_space<hbm>> -> memref<2048xf32, #tpu.memory_space<hbm>>
      tpu.enqueue_dma source(%arg10 : memref<2048xf32, #tpu.memory_space<vmem>>) target(%dma_start3A_287 : memref<2048xf32, #tpu.memory_space<hbm>>) target_semaphore(%arg14 : memref<!tpu.dma_semaphore, #tpu.memory_space<semaphore_mem>>)
      %dma_wait3A_288 = arith.constant 14336 : i32
      %dma_wait3A_289 = tpu.memref_slice %arg4[%add3A_37, %dma_wait3A_288] : memref<26x16384xi32, #tpu.memory_space<hbm>> -> memref<1x2048xi32, #tpu.memory_space<hbm>>
      %dma_wait3A_290 = tpu.memref_squeeze %dma_wait3A_289 : memref<1x2048xi32, #tpu.memory_space<hbm>> -> memref<2048xi32, #tpu.memory_space<hbm>>
      %dma_wait3A_291 = arith.constant 14336 : i32
      %dma_wait3A_292 = tpu.memref_slice %arg4[%add3A_37, %dma_wait3A_291] : memref<26x16384xi32, #tpu.memory_space<hbm>> -> memref<1x2048xi32, #tpu.memory_space<hbm>>
      %dma_wait3A_293 = tpu.memref_squeeze %dma_wait3A_292 : memref<1x2048xi32, #tpu.memory_space<hbm>> -> memref<2048xi32, #tpu.memory_space<hbm>>
      tpu.wait_dma2 semaphore(%arg13 : memref<!tpu.dma_semaphore, #tpu.memory_space<semaphore_mem>>) src(%dma_wait3A_293 : memref<2048xi32, #tpu.memory_space<hbm>>) dst(%arg9 : memref<2048xi32, #tpu.memory_space<vmem>>)
      %dma_wait3A_294 = arith.constant 0 : i32
      %dma_wait3A_295 = tpu.memref_slice %arg6[%add3A_34, %select_n3A_28, %dma_wait3A_294] : memref<4x8x16384xf32, #tpu.memory_space<hbm>> -> memref<1x1x16384xf32, #tpu.memory_space<hbm>>
      %dma_wait3A_296 = tpu.memref_squeeze %dma_wait3A_295 : memref<1x1x16384xf32, #tpu.memory_space<hbm>> -> memref<16384xf32, #tpu.memory_space<hbm>>
      %dma_wait3A_297 = arith.constant 10240 : i32
      %dma_wait3A_298 = tpu.memref_slice %dma_wait3A_296[%dma_wait3A_297] : memref<16384xf32, #tpu.memory_space<hbm>> -> memref<2048xf32, #tpu.memory_space<hbm>>
      %dma_wait3A_299 = arith.constant 0 : i32
      %dma_wait3A_300 = tpu.memref_slice %arg6[%add3A_34, %select_n3A_28, %dma_wait3A_299] : memref<4x8x16384xf32, #tpu.memory_space<hbm>> -> memref<1x1x16384xf32, #tpu.memory_space<hbm>>
      %dma_wait3A_301 = tpu.memref_squeeze %dma_wait3A_300 : memref<1x1x16384xf32, #tpu.memory_space<hbm>> -> memref<16384xf32, #tpu.memory_space<hbm>>
      %dma_wait3A_302 = arith.constant 10240 : i32
      %dma_wait3A_303 = tpu.memref_slice %dma_wait3A_301[%dma_wait3A_302] : memref<16384xf32, #tpu.memory_space<hbm>> -> memref<2048xf32, #tpu.memory_space<hbm>>
      tpu.wait_dma2 semaphore(%arg15 : memref<!tpu.dma_semaphore, #tpu.memory_space<semaphore_mem>>) src(%arg11 : memref<2048xf32, #tpu.memory_space<vmem>>) dst(%dma_wait3A_303 : memref<2048xf32, #tpu.memory_space<hbm>>)
      %scan3A_304 = arith.constant 0 : i32
      %scan3A_305 = arith.constant 128 : i32
      %scan3A_306 = arith.addi %scan3A_304, %scan3A_305 : i32
      %scan3A_307 = arith.constant 1 : i32
      scf.for %scan3A_339 = %scan3A_304 to %scan3A_306 step %scan3A_307  : i32 {
        %mul3A_340 = arith.constant 1 : i32
        %mul3A_341 = arith.muli %scan3A_339, %mul3A_340 : i32
        %add3A_342 = arith.constant 0 : i32
        %add3A_343 = arith.addi %add3A_342, %mul3A_341 : i32
        %mul3A_344 = arith.constant 16 : i32
        %mul3A_345 = arith.muli %add3A_343, %mul3A_344 : i32
        %get3A = arith.index_cast %mul3A_345 : i32 to index
        %get3A_346 = tpu.vector_load %arg9[%get3A] {strides = array<i32>} : memref<2048xi32, #tpu.memory_space<vmem>>, vector<16xi32>,
        %gather3A = tpu.vector_load_idx %arg7[%get3A_346] : memref<100000xf32, #tpu.memory_space<vmem>>[vector<16xi32>], vector<16xf32>,
        %mul3A_347 = arith.constant 16 : i32
        %mul3A_348 = arith.muli %add3A_343, %mul3A_347 : i32
        %swap3A = arith.index_cast %mul3A_348 : i32 to index
        %swap3A_349 = tpu.vector_load %arg11[%swap3A] {strides = array<i32>} : memref<2048xf32, #tpu.memory_space<vmem>>, vector<16xf32>,
        tpu.vector_store %arg11[%swap3A], %gather3A {strides = array<i32>} : memref<2048xf32, #tpu.memory_space<vmem>>, vector<16xf32>,
      }
      %scan3A_308 = arith.constant 128 : i32
      %dma_start3A_309 = arith.constant 0 : i32
      %dma_start3A_310 = tpu.memref_slice %arg6[%add3A_34, %select_n3A_28, %dma_start3A_309] : memref<4x8x16384xf32, #tpu.memory_space<hbm>> -> memref<1x1x16384xf32, #tpu.memory_space<hbm>>
      %dma_start3A_311 = tpu.memref_squeeze %dma_start3A_310 : memref<1x1x16384xf32, #tpu.memory_space<hbm>> -> memref<16384xf32, #tpu.memory_space<hbm>>
      %dma_start3A_312 = arith.constant 14336 : i32
      %dma_start3A_313 = tpu.memref_slice %dma_start3A_311[%dma_start3A_312] : memref<16384xf32, #tpu.memory_space<hbm>> -> memref<2048xf32, #tpu.memory_space<hbm>>
      %dma_start3A_314 = arith.constant 0 : i32
      %dma_start3A_315 = tpu.memref_slice %arg6[%add3A_34, %select_n3A_28, %dma_start3A_314] : memref<4x8x16384xf32, #tpu.memory_space<hbm>> -> memref<1x1x16384xf32, #tpu.memory_space<hbm>>
      %dma_start3A_316 = tpu.memref_squeeze %dma_start3A_315 : memref<1x1x16384xf32, #tpu.memory_space<hbm>> -> memref<16384xf32, #tpu.memory_space<hbm>>
      %dma_start3A_317 = arith.constant 14336 : i32
      %dma_start3A_318 = tpu.memref_slice %dma_start3A_316[%dma_start3A_317] : memref<16384xf32, #tpu.memory_space<hbm>> -> memref<2048xf32, #tpu.memory_space<hbm>>
      tpu.enqueue_dma source(%arg11 : memref<2048xf32, #tpu.memory_space<vmem>>) target(%dma_start3A_318 : memref<2048xf32, #tpu.memory_space<hbm>>) target_semaphore(%arg15 : memref<!tpu.dma_semaphore, #tpu.memory_space<semaphore_mem>>)
      %dma_wait3A_319 = arith.constant 0 : i32
      %dma_wait3A_320 = tpu.memref_slice %arg6[%add3A_34, %select_n3A_28, %dma_wait3A_319] : memref<4x8x16384xf32, #tpu.memory_space<hbm>> -> memref<1x1x16384xf32, #tpu.memory_space<hbm>>
      %dma_wait3A_321 = tpu.memref_squeeze %dma_wait3A_320 : memref<1x1x16384xf32, #tpu.memory_space<hbm>> -> memref<16384xf32, #tpu.memory_space<hbm>>
      %dma_wait3A_322 = arith.constant 12288 : i32
      %dma_wait3A_323 = tpu.memref_slice %dma_wait3A_321[%dma_wait3A_322] : memref<16384xf32, #tpu.memory_space<hbm>> -> memref<2048xf32, #tpu.memory_space<hbm>>
      %dma_wait3A_324 = arith.constant 0 : i32
      %dma_wait3A_325 = tpu.memref_slice %arg6[%add3A_34, %select_n3A_28, %dma_wait3A_324] : memref<4x8x16384xf32, #tpu.memory_space<hbm>> -> memref<1x1x16384xf32, #tpu.memory_space<hbm>>
      %dma_wait3A_326 = tpu.memref_squeeze %dma_wait3A_325 : memref<1x1x16384xf32, #tpu.memory_space<hbm>> -> memref<16384xf32, #tpu.memory_space<hbm>>
      %dma_wait3A_327 = arith.constant 12288 : i32
      %dma_wait3A_328 = tpu.memref_slice %dma_wait3A_326[%dma_wait3A_327] : memref<16384xf32, #tpu.memory_space<hbm>> -> memref<2048xf32, #tpu.memory_space<hbm>>
      tpu.wait_dma2 semaphore(%arg14 : memref<!tpu.dma_semaphore, #tpu.memory_space<semaphore_mem>>) src(%arg10 : memref<2048xf32, #tpu.memory_space<vmem>>) dst(%dma_wait3A_328 : memref<2048xf32, #tpu.memory_space<hbm>>)
      %dma_wait3A_329 = arith.constant 0 : i32
      %dma_wait3A_330 = tpu.memref_slice %arg6[%add3A_34, %select_n3A_28, %dma_wait3A_329] : memref<4x8x16384xf32, #tpu.memory_space<hbm>> -> memref<1x1x16384xf32, #tpu.memory_space<hbm>>
      %dma_wait3A_331 = tpu.memref_squeeze %dma_wait3A_330 : memref<1x1x16384xf32, #tpu.memory_space<hbm>> -> memref<16384xf32, #tpu.memory_space<hbm>>
      %dma_wait3A_332 = arith.constant 14336 : i32
      %dma_wait3A_333 = tpu.memref_slice %dma_wait3A_331[%dma_wait3A_332] : memref<16384xf32, #tpu.memory_space<hbm>> -> memref<2048xf32, #tpu.memory_space<hbm>>
      %dma_wait3A_334 = arith.constant 0 : i32
      %dma_wait3A_335 = tpu.memref_slice %arg6[%add3A_34, %select_n3A_28, %dma_wait3A_334] : memref<4x8x16384xf32, #tpu.memory_space<hbm>> -> memref<1x1x16384xf32, #tpu.memory_space<hbm>>
      %dma_wait3A_336 = tpu.memref_squeeze %dma_wait3A_335 : memref<1x1x16384xf32, #tpu.memory_space<hbm>> -> memref<16384xf32, #tpu.memory_space<hbm>>
      %dma_wait3A_337 = arith.constant 14336 : i32
      %dma_wait3A_338 = tpu.memref_slice %dma_wait3A_336[%dma_wait3A_337] : memref<16384xf32, #tpu.memory_space<hbm>> -> memref<2048xf32, #tpu.memory_space<hbm>>
      tpu.wait_dma2 semaphore(%arg15 : memref<!tpu.dma_semaphore, #tpu.memory_space<semaphore_mem>>) src(%arg11 : memref<2048xf32, #tpu.memory_space<vmem>>) dst(%dma_wait3A_338 : memref<2048xf32, #tpu.memory_space<hbm>>)
    } else {
    }
    %ge3A = arith.constant 26 : i32
    %ge3A_41 = arith.cmpi sge, %add3A_37, %ge3A : i32
    %convert_element_type3A_42 = arith.extui %ge3A_41 : i1 to i32
    %cond3A_43 = arith.constant 0 : i32
    %cond3A_44 = arith.cmpi ne, %convert_element_type3A_42, %cond3A_43 : i32
    scf.if %cond3A_44 {
      %scan3A_45 = arith.constant 0 : i32
      %scan3A_46 = arith.constant 128 : i32
      %scan3A_47 = arith.addi %scan3A_45, %scan3A_46 : i32
      %scan3A_48 = arith.constant 1 : i32
      scf.for %scan3A_55 = %scan3A_45 to %scan3A_47 step %scan3A_48  : i32 {
        %mul3A_56 = arith.constant 1 : i32
        %mul3A_57 = arith.muli %scan3A_55, %mul3A_56 : i32
        %add3A_58 = arith.constant 0 : i32
        %add3A_59 = arith.addi %add3A_58, %mul3A_57 : i32
        %broadcast_in_dim3A = arith.constant 0.000000e+00 : f32
        %broadcast_in_dim3A_60 = vector.broadcast %broadcast_in_dim3A : f32 to vector<16xf32>
        %mul3A_61 = arith.constant 16 : i32
        %mul3A_62 = arith.muli %add3A_59, %mul3A_61 : i32
        %swap3A = arith.index_cast %mul3A_62 : i32 to index
        %swap3A_63 = tpu.vector_load %arg10[%swap3A] {strides = array<i32>} : memref<2048xf32, #tpu.memory_space<vmem>>, vector<16xf32>,
        tpu.vector_store %arg10[%swap3A], %broadcast_in_dim3A_60 {strides = array<i32>} : memref<2048xf32, #tpu.memory_space<vmem>>, vector<16xf32>,
      }
      %scan3A_49 = arith.constant 128 : i32
      %scan3A_50 = arith.constant 0 : i32
      %scan3A_51 = arith.constant 8 : i32
      %scan3A_52 = arith.addi %scan3A_50, %scan3A_51 : i32
      %scan3A_53 = arith.constant 1 : i32
      scf.for %scan3A_55 = %scan3A_50 to %scan3A_52 step %scan3A_53  : i32 {
        %mul3A_56 = arith.constant 1 : i32
        %mul3A_57 = arith.muli %scan3A_55, %mul3A_56 : i32
        %add3A_58 = arith.constant 0 : i32
        %add3A_59 = arith.addi %add3A_58, %mul3A_57 : i32
        %mul3A_60 = arith.constant 2048 : i32
        %mul3A_61 = arith.muli %add3A_59, %mul3A_60 : i32
        "tpu.region"() ({
          %run_scoped3A = tpu.sem_alloc : memref<!tpu.dma_semaphore, #tpu.memory_space<semaphore_mem>>
          %dma_start3A = tpu.memref_slice %arg6[%add3A_34, %select_n3A_28, %mul3A_61] : memref<4x8x16384xf32, #tpu.memory_space<hbm>> -> memref<1x1x2048xf32, #tpu.memory_space<hbm>>
          %dma_start3A_62 = tpu.memref_squeeze %dma_start3A : memref<1x1x2048xf32, #tpu.memory_space<hbm>> -> memref<2048xf32, #tpu.memory_space<hbm>>
          %dma_start3A_63 = tpu.memref_slice %arg6[%add3A_34, %select_n3A_28, %mul3A_61] : memref<4x8x16384xf32, #tpu.memory_space<hbm>> -> memref<1x1x2048xf32, #tpu.memory_space<hbm>>
          %dma_start3A_64 = tpu.memref_squeeze %dma_start3A_63 : memref<1x1x2048xf32, #tpu.memory_space<hbm>> -> memref<2048xf32, #tpu.memory_space<hbm>>
          tpu.enqueue_dma source(%arg10 : memref<2048xf32, #tpu.memory_space<vmem>>) target(%dma_start3A_64 : memref<2048xf32, #tpu.memory_space<hbm>>) target_semaphore(%run_scoped3A : memref<!tpu.dma_semaphore, #tpu.memory_space<semaphore_mem>>)
          %dma_wait3A = tpu.memref_slice %arg6[%add3A_34, %select_n3A_28, %mul3A_61] : memref<4x8x16384xf32, #tpu.memory_space<hbm>> -> memref<1x1x2048xf32, #tpu.memory_space<hbm>>
          %dma_wait3A_65 = tpu.memref_squeeze %dma_wait3A : memref<1x1x2048xf32, #tpu.memory_space<hbm>> -> memref<2048xf32, #tpu.memory_space<hbm>>
          %dma_wait3A_66 = tpu.memref_slice %arg6[%add3A_34, %select_n3A_28, %mul3A_61] : memref<4x8x16384xf32, #tpu.memory_space<hbm>> -> memref<1x1x2048xf32, #tpu.memory_space<hbm>>
          %dma_wait3A_67 = tpu.memref_squeeze %dma_wait3A_66 : memref<1x1x2048xf32, #tpu.memory_space<hbm>> -> memref<2048xf32, #tpu.memory_space<hbm>>
          tpu.wait_dma2 semaphore(%run_scoped3A : memref<!tpu.dma_semaphore, #tpu.memory_space<semaphore_mem>>) src(%arg10 : memref<2048xf32, #tpu.memory_space<vmem>>) dst(%dma_wait3A_67 : memref<2048xf32, #tpu.memory_space<hbm>>)
          tpu.yield
        }) : () -> ()
      }
      %scan3A_54 = arith.constant 8 : i32
    } else {
    }
    return
  }
}

module attributes {stable_mosaic.version = 14 : i64} {
  func.func @_dense_body(%arg0: i32, %arg1: memref<416x4096xf32, #tpu.memory_space<vmem>>, %arg2: memref<32x4096xf32, #tpu.memory_space<vmem>>, %arg3: memref<128x416xf32, #tpu.memory_space<vmem>>, %arg4: memref<128x1xf32, #tpu.memory_space<vmem>>, %arg5: memref<64x128xf32, #tpu.memory_space<vmem>>, %arg6: memref<64x1xf32, #tpu.memory_space<vmem>>, %arg7: memref<1x64xf32, #tpu.memory_space<vmem>>, %arg8: memref<1x1xf32, #tpu.memory_space<vmem>>, %arg9: memref<16x416xf32, #tpu.memory_space<vmem>>, %arg10: memref<1x4096xf32, #tpu.memory_space<vmem>>) attributes {dimension_semantics = [#tpu.dimension_semantics<arbitrary>], iteration_bounds = array<i64: 4>, scalar_prefetch = 0 : i64, scratch_operands = 0 : i64, tpu.core_type = #tpu.core_type<tc>, window_params = [{transform_indices = @transform_0, window_bounds = array<i64: 416, 4096>}, {transform_indices = @transform_1, window_bounds = array<i64: 32, 4096>}, {pipeline_mode = #tpu.pipeline_mode<synchronous>, transform_indices = @transform_2, window_bounds = array<i64: 128, 416>}, {pipeline_mode = #tpu.pipeline_mode<synchronous>, transform_indices = @transform_3, window_bounds = array<i64: 128, 1>}, {pipeline_mode = #tpu.pipeline_mode<synchronous>, transform_indices = @transform_4, window_bounds = array<i64: 64, 128>}, {pipeline_mode = #tpu.pipeline_mode<synchronous>, transform_indices = @transform_5, window_bounds = array<i64: 64, 1>}, {pipeline_mode = #tpu.pipeline_mode<synchronous>, transform_indices = @transform_6, window_bounds = array<i64: 1, 64>}, {pipeline_mode = #tpu.pipeline_mode<synchronous>, transform_indices = @transform_7, window_bounds = array<i64: 1, 1>}, {pipeline_mode = #tpu.pipeline_mode<synchronous>, transform_indices = @transform_8, window_bounds = array<i64: 16, 416>}, {transform_indices = @transform_9, window_bounds = array<i64: 1, 4096>}]} {
    %get3A = arith.constant 0 : index
    %get3A_0 = arith.constant 0 : index
    %get3A_1 = vector.load %arg1[%get3A, %get3A_0] : memref<416x4096xf32, #tpu.memory_space<vmem>>, vector<416x4096xf32>
    %get3A_2 = arith.constant 0 : index
    %get3A_3 = arith.constant 0 : index
    %get3A_4 = vector.load %arg2[%get3A_2, %get3A_3] : memref<32x4096xf32, #tpu.memory_space<vmem>>, vector<32x4096xf32>
    %reduce_sum3A = arith.constant dense<0.000000e+00> : vector<4096xf32>
    %reduce_sum3A_5 = vector.multi_reduction <add>, %get3A_4, %reduce_sum3A [0] : vector<32x4096xf32> to vector<4096xf32>
    %broadcast_in_dim3A = vector.shape_cast %reduce_sum3A_5 : vector<4096xf32> to vector<1x4096xf32>
    %get3A_6 = arith.constant 0 : index
    %get3A_7 = arith.constant 0 : index
    %get3A_8 = vector.load %arg9[%get3A_6, %get3A_7] : memref<16x416xf32, #tpu.memory_space<vmem>>, vector<16x416xf32>
    %dot_general3A = arith.constant dense<0.000000e+00> : vector<16x4096xf32>
    %dot_general3A_9 = tpu.matmul %get3A_8, %get3A_1, %dot_general3A {dimension_numbers = #tpu.dot_dimension_numbers<[1], [0], [0], [1], [0, 0, 1, 1], [], []>, transpose_lhs_hint = false} : vector<16x416xf32>, vector<416x4096xf32>, vector<16x4096xf32> -> vector<16x4096xf32>
    %mul3A = arith.mulf %dot_general3A_9, %dot_general3A_9 : vector<16x4096xf32>
    %reduce_sum3A_10 = arith.constant dense<0.000000e+00> : vector<4096xf32>
    %reduce_sum3A_11 = vector.multi_reduction <add>, %mul3A, %reduce_sum3A_10 [0] : vector<16x4096xf32> to vector<4096xf32>
    %broadcast_in_dim3A_12 = vector.shape_cast %reduce_sum3A_11 : vector<4096xf32> to vector<1x4096xf32>
    %mul3A_13 = arith.mulf %get3A_1, %get3A_1 : vector<416x4096xf32>
    %reduce_sum3A_14 = arith.constant dense<0.000000e+00> : vector<4096xf32>
    %reduce_sum3A_15 = vector.multi_reduction <add>, %mul3A_13, %reduce_sum3A_14 [0] : vector<416x4096xf32> to vector<4096xf32>
    %broadcast_in_dim3A_16 = vector.shape_cast %reduce_sum3A_15 : vector<4096xf32> to vector<1x4096xf32>
    %sub3A = arith.subf %broadcast_in_dim3A_12, %broadcast_in_dim3A_16 : vector<1x4096xf32>
    %mul3A_17 = arith.constant 5.000000e-01 : f32
    %mul3A_18 = vector.broadcast %mul3A_17 : f32 to vector<1x4096xf32>
    %mul3A_19 = arith.mulf %mul3A_18, %sub3A : vector<1x4096xf32>
    %get3A_20 = arith.constant 0 : index
    %get3A_21 = arith.constant 0 : index
    %get3A_22 = vector.load %arg3[%get3A_20, %get3A_21] : memref<128x416xf32, #tpu.memory_space<vmem>>, vector<128x416xf32>
    %dot_general3A_23 = arith.constant dense<0.000000e+00> : vector<128x4096xf32>
    %dot_general3A_24 = tpu.matmul %get3A_22, %get3A_1, %dot_general3A_23 {dimension_numbers = #tpu.dot_dimension_numbers<[1], [0], [0], [1], [0, 0, 1, 1], [], []>, transpose_lhs_hint = false} : vector<128x416xf32>, vector<416x4096xf32>, vector<128x4096xf32> -> vector<128x4096xf32>
    %get3A_25 = arith.constant 0 : index
    %get3A_26 = arith.constant 0 : index
    %get3A_27 = vector.load %arg4[%get3A_25, %get3A_26] : memref<128x1xf32, #tpu.memory_space<vmem>>, vector<128x1xf32>
    %add3A = vector.broadcast %get3A_27 : vector<128x1xf32> to vector<128x4096xf32>
    %add3A_28 = arith.addf %dot_general3A_24, %add3A : vector<128x4096xf32>
    %max3A = arith.constant 0.000000e+00 : f32
    %max3A_29 = vector.broadcast %max3A : f32 to vector<128x4096xf32>
    %max3A_30 = arith.maximumf %add3A_28, %max3A_29 : vector<128x4096xf32>
    %get3A_31 = arith.constant 0 : index
    %get3A_32 = arith.constant 0 : index
    %get3A_33 = vector.load %arg5[%get3A_31, %get3A_32] : memref<64x128xf32, #tpu.memory_space<vmem>>, vector<64x128xf32>
    %dot_general3A_34 = arith.constant dense<0.000000e+00> : vector<64x4096xf32>
    %dot_general3A_35 = tpu.matmul %get3A_33, %max3A_30, %dot_general3A_34 {dimension_numbers = #tpu.dot_dimension_numbers<[1], [0], [0], [1], [0, 0, 1, 1], [], []>, transpose_lhs_hint = false} : vector<64x128xf32>, vector<128x4096xf32>, vector<64x4096xf32> -> vector<64x4096xf32>
    %get3A_36 = arith.constant 0 : index
    %get3A_37 = arith.constant 0 : index
    %get3A_38 = vector.load %arg6[%get3A_36, %get3A_37] : memref<64x1xf32, #tpu.memory_space<vmem>>, vector<64x1xf32>
    %add3A_39 = vector.broadcast %get3A_38 : vector<64x1xf32> to vector<64x4096xf32>
    %add3A_40 = arith.addf %dot_general3A_35, %add3A_39 : vector<64x4096xf32>
    %max3A_41 = arith.constant 0.000000e+00 : f32
    %max3A_42 = vector.broadcast %max3A_41 : f32 to vector<64x4096xf32>
    %max3A_43 = arith.maximumf %add3A_40, %max3A_42 : vector<64x4096xf32>
    %get3A_44 = arith.constant 0 : index
    %get3A_45 = arith.constant 0 : index
    %get3A_46 = vector.load %arg7[%get3A_44, %get3A_45] : memref<1x64xf32, #tpu.memory_space<vmem>>, vector<1x64xf32>
    %dot_general3A_47 = arith.constant dense<0.000000e+00> : vector<1x4096xf32>
    %dot_general3A_48 = tpu.matmul %get3A_46, %max3A_43, %dot_general3A_47 {dimension_numbers = #tpu.dot_dimension_numbers<[1], [0], [0], [1], [0, 0, 1, 1], [], []>, transpose_lhs_hint = false} : vector<1x64xf32>, vector<64x4096xf32>, vector<1x4096xf32> -> vector<1x4096xf32>
    %add3A_49 = arith.addf %broadcast_in_dim3A, %mul3A_19 : vector<1x4096xf32>
    %add3A_50 = arith.addf %add3A_49, %dot_general3A_48 : vector<1x4096xf32>
    %get3A_51 = arith.constant 0 : index
    %get3A_52 = arith.constant 0 : index
    %get3A_53 = vector.load %arg8[%get3A_51, %get3A_52] : memref<1x1xf32, #tpu.memory_space<vmem>>, vector<1x1xf32>
    %add3A_54 = vector.broadcast %get3A_53 : vector<1x1xf32> to vector<1x4096xf32>
    %add3A_55 = arith.addf %add3A_50, %add3A_54 : vector<1x4096xf32>
    %logistic3A = arith.negf %add3A_55 : vector<1x4096xf32>
    %logistic3A_56 = math.exp %logistic3A : vector<1x4096xf32>
    %logistic3A_57 = arith.constant 1.000000e+00 : f32
    %logistic3A_58 = vector.broadcast %logistic3A_57 : f32 to vector<1x4096xf32>
    %logistic3A_59 = arith.addf %logistic3A_58, %logistic3A_56 : vector<1x4096xf32>
    %logistic3A_60 = arith.divf %logistic3A_58, %logistic3A_59 : vector<1x4096xf32>
    %swap3A = arith.constant 0 : index
    %swap3A_61 = arith.constant 0 : index
    %swap3A_62 = vector.load %arg10[%swap3A, %swap3A_61] : memref<1x4096xf32, #tpu.memory_space<vmem>>, vector<1x4096xf32>
    tpu.vector_store %arg10[%swap3A, %swap3A_61], %logistic3A_60 {strides = array<i32>} : memref<1x4096xf32, #tpu.memory_space<vmem>>, vector<1x4096xf32>,
    return
  }
  func.func @transform_0(%arg0: i32) -> (i32, i32) {
    %c0_i32 = arith.constant 0 : i32
    %c0_i32_0 = arith.constant 0 : i32
    return %c0_i32, %arg0 : i32, i32
  }
  func.func @transform_1(%arg0: i32) -> (i32, i32) {
    %c0_i32 = arith.constant 0 : i32
    %c0_i32_0 = arith.constant 0 : i32
    return %c0_i32, %arg0 : i32, i32
  }
  func.func @transform_2(%arg0: i32) -> (i32, i32) {
    %c0_i32 = arith.constant 0 : i32
    %c0_i32_0 = arith.constant 0 : i32
    %c0_i32_1 = arith.constant 0 : i32
    return %c0_i32, %c0_i32_0 : i32, i32
  }
  func.func @transform_3(%arg0: i32) -> (i32, i32) {
    %c0_i32 = arith.constant 0 : i32
    %c0_i32_0 = arith.constant 0 : i32
    %c0_i32_1 = arith.constant 0 : i32
    return %c0_i32, %c0_i32_0 : i32, i32
  }
  func.func @transform_4(%arg0: i32) -> (i32, i32) {
    %c0_i32 = arith.constant 0 : i32
    %c0_i32_0 = arith.constant 0 : i32
    %c0_i32_1 = arith.constant 0 : i32
    return %c0_i32, %c0_i32_0 : i32, i32
  }
  func.func @transform_5(%arg0: i32) -> (i32, i32) {
    %c0_i32 = arith.constant 0 : i32
    %c0_i32_0 = arith.constant 0 : i32
    %c0_i32_1 = arith.constant 0 : i32
    return %c0_i32, %c0_i32_0 : i32, i32
  }
  func.func @transform_6(%arg0: i32) -> (i32, i32) {
    %c0_i32 = arith.constant 0 : i32
    %c0_i32_0 = arith.constant 0 : i32
    %c0_i32_1 = arith.constant 0 : i32
    return %c0_i32, %c0_i32_0 : i32, i32
  }
  func.func @transform_7(%arg0: i32) -> (i32, i32) {
    %c0_i32 = arith.constant 0 : i32
    %c0_i32_0 = arith.constant 0 : i32
    %c0_i32_1 = arith.constant 0 : i32
    return %c0_i32, %c0_i32_0 : i32, i32
  }
  func.func @transform_8(%arg0: i32) -> (i32, i32) {
    %c0_i32 = arith.constant 0 : i32
    %c0_i32_0 = arith.constant 0 : i32
    %c0_i32_1 = arith.constant 0 : i32
    return %c0_i32, %c0_i32_0 : i32, i32
  }
  func.func @transform_9(%arg0: i32) -> (i32, i32) {
    %c0_i32 = arith.constant 0 : i32
    %c0_i32_0 = arith.constant 0 : i32
    return %c0_i32, %arg0 : i32, i32
  }
}

</mosaic_0001>

<sc_bundles>
// kernel: kernel.4.cloned.1.call-start
scs
__scs_entry_jumppad:
0x0: {  	(pc) =	sbr.rel $0x88, $3  }
0x1: {  	(tag) =	ssettag $0x0;
	lr =	simm.s32 $0x1  }
0x2: {  	[smem:$0x3F97] =	sst lr;
	_ =	strace $0xD0000000  }
0x3: {  	_ = 	snop  }
0x4: {  	_ = 	snop  }
0x5: {  	_ = 	snop  }
0x6: {  	_ = 	snop  }
0x7: {  	_ = 	snop  }
__scs_overlays_trampoline_lowered:
0x8: {  	[smem:$0x3FA6] =	sst s0  }
0x9: {  	[smem:$0x3FA7] =	sst s1  }
0xa: {  	[smem:$0x3FA8] =	sst s2  }
0xb: {  	[smem:$0x3FA9] =	sst s3  }
0xc: {  	[smem:$0x3FAA] =	sst s4  }
0xd: {  	[smem:$0x3FAB] =	sst s5  }
0xe: {  	[smem:$0x3FAC] =	sst s6  }
0xf: {  	[smem:$0x3FAD] =	sst s7  }
0x10: {  	[smem:$0x3FAE] =	sst s8  }
0x11: {  	[smem:$0x3FAF] =	sst s9;
	s0 =	simm.s32 @!p0 $0x0  }
0x12: {  	s1 =	sld [smem:$0x3F95];
	s0 =	simm.s32 @p0 $0x1  }
0x13: {  	[smem:$0x3FB0] =	sst s0;
	s0 =	simm.s32 @!p1 $0x0  }
0x14: {  	s2 =	sld [smem:$0x3F94];
	s0 =	simm.s32 @p1 $0x1  }
0x15: {  	[smem:$0x3FB1] =	sst s0;
	s0 =	simm.s32 @!p2 $0x0  }
0x16: {  	s3 =	sld [smem:$0x3FDB];
	s0 =	simm.s32 @p2 $0x1  }
0x17: {  	s4 =	simm.s32 $0x1BF5;
	[smem:$0x3FB3] =	sst s0  }
0x18: {  	s0 =	sld [smem:$0x3F96];
	_ =	swait.ge [sflag:s4], $0x0  }
0x19: {  	s7 =	sld [smem:$0x3F97]  }
0x1a: {  	s8 =	sadd.s32 $0xFFFFE003, lr  }
0x1b: {  	s9 =	sadd.s32 $0xFFFFFEF7, lr;
	s5 =	simm.s32 $0xFFFFFFFF;
	p2 =	slt.u32 s8, $0xFFFFF086  }
0x1c: {  	p1 =	slt.u32 s9, $0xF7A;
	s5 =	simm.s32 @!p2 $0x0  }
0x1d: {  	s5 =	simm.s32 @p1 $0x1;
	p0 =	seq.s32 s7, s2  }
0x1e: {  	s7 =	smul.u32 @!p0 $0xF7A, s2;
	p2 =	seq.s32 @!p0 s5, $0x0  }
0x1f: {  	s9 =	smul.u32 $0xF7A, s1;
	s8 =	simm.s32 @!p0 $0x1BF5;
	p2 =	por !p2, p0  }
0x20: {  	[sflag:s8] =	ssyncset.s32 @!p0 $0xFFFFF086;
	s6 =	sadd.s32 @!p0 s3, s7;
	s7 =	simm.s32 @!p0 $0x108  }
0x21: {  	s3 =	sadd.s32 s3, s9;
	s6 =	sadd.s32 @!p0 $0x88, s6;
	s7 =	simm.s32 @p2 $0x1082  }
0x22: {  	[simem:s7], [sflag:s8] =	dma.local @!p0 [hbm:s6], $0xF7A  }
0x23: {  	s9 =	sor.u32 $0xD0000000, s2;
	s6 =	simm.s32 $0x108;
	_ =	swait.ge @!p0 [sflag:s8], $0x0  }
0x24: {  	s3 =	sadd.s32 $0x88, s3;
	s6 =	simm.s32 @!p1 $0x1082;
	[sflag:s4] =	ssyncset.s32 $0xFFFFF086  }
0x25: {  	[simem:s6], [sflag:s4] =	dma.local [hbm:s3], $0xF7A  }
0x26: {  	[smem:$0x3F97] =	sst s1;
	(tag) =	ssettag s2;
	_ =	strace s9  }
0x27: {  	s1 =	sld [smem:$0x3FA7]  }
0x28: {  	s2 =	sld [smem:$0x3FA8]  }
0x29: {  	s4 =	sld [smem:$0x3FAA]  }
0x2a: {  	p0 =	seq.s32 s5, $0x0;
	s5 =	sld [smem:$0x3FAB]  }
0x2b: {  	s6 =	sld [smem:$0x3FAC]  }
0x2c: {  	s7 =	sld [smem:$0x3FAD]  }
0x2d: {  	s3 =	simm.s32 $0x108;
	s8 =	sld [smem:$0x3FAE]  }
0x2e: {  	s3 =	simm.s32 @!p0 $0x1082;
	s9 =	sld [smem:$0x3FAF]  }
0x2f: {  	lr =	sadd.s32 s0, s3;
	s0 =	sld [smem:$0x3FA6]  }
0x30: {  	s3 =	sld [smem:$0x3FA9]  }
0x31: {  	[smem:$0x3FB2] =	sst s10  }
0x32: {  	s10 =	sld [smem:$0x3FB0];
	_ =	sdelay $0x3  }
0x33: {  	p0 =	seq.s32 s10, $0x1;
	s10 =	sld [smem:$0x3FB2];
	_ =	sdelay $0x3  }
0x34: {  	[smem:$0x3FB2] =	sst s10  }
0x35: {  	s10 =	sld [smem:$0x3FB1];
	_ =	sdelay $0x3  }
0x36: {  	p1 =	seq.s32 s10, $0x1;
	s10 =	sld [smem:$0x3FB2];
	_ =	sdelay $0x3  }
0x37: {  	[smem:$0x3FB2] =	sst s10  }
0x38: {  	s10 =	sld [smem:$0x3FB3]  }
0x39: {  	_ = 	snop;
	(pc) =	sbr.ind lr, $3  }
0x3a: {  	_ = 	snop  }
0x3b: {  	_ = 	snop  }
0x3c: {  	p2 =	seq.s32 s10, $0x1;
	s10 =	sld [smem:$0x3FB2]  }
0x3d: {  	_ =	shalt  }
0x3e: {  	_ =	shalt  }
0x3f: {  	_ =	shalt  }
0x40: {  	_ =	shalt  }
0x41: {  	_ =	shalt  }
0x42: {  	_ =	shalt  }
0x43: {  	_ =	shalt  }
0x44: {  	_ =	shalt  }
0x45: {  	_ =	shalt  }
0x46: {  	_ =	shalt  }
0x47: {  	_ =	shalt  }
0x48: {  	_ =	shalt  }
0x49: {  	_ =	shalt  }
0x4a: {  	_ =	shalt  }
0x4b: {  	_ =	shalt  }
0x4c: {  	_ =	shalt  }
0x4d: {  	_ =	shalt  }
0x4e: {  	_ =	shalt  }
0x4f: {  	_ =	shalt  }
0x50: {  	_ =	shalt  }
0x51: {  	_ =	shalt  }
0x52: {  	_ =	shalt  }
0x53: {  	_ =	shalt  }
0x54: {  	_ =	shalt  }
0x55: {  	_ =	shalt  }
0x56: {  	_ =	shalt  }
0x57: {  	_ =	shalt  }
0x58: {  	_ =	shalt  }
0x59: {  	_ =	shalt  }
0x5a: {  	_ =	shalt  }
0x5b: {  	_ =	shalt  }
0x5c: {  	_ =	shalt  }
0x5d: {  	_ =	shalt  }
0x5e: {  	_ =	shalt  }
0x5f: {  	_ =	shalt  }
0x60: {  	_ =	shalt  }
0x61: {  	_ =	shalt  }
0x62: {  	_ =	shalt  }
0x63: {  	_ =	shalt  }
0x64: {  	_ =	shalt  }
0x65: {  	_ =	shalt  }
0x66: {  	_ =	shalt  }
0x67: {  	_ =	shalt  }
0x68: {  	_ =	shalt  }
0x69: {  	_ =	shalt  }
0x6a: {  	_ =	shalt  }
0x6b: {  	_ =	shalt  }
0x6c: {  	_ =	shalt  }
0x6d: {  	_ =	shalt  }
0x6e: {  	_ =	shalt  }
0x6f: {  	_ =	shalt  }
0x70: {  	_ =	shalt  }
0x71: {  	_ =	shalt  }
0x72: {  	_ =	shalt  }
0x73: {  	_ =	shalt  }
0x74: {  	_ =	shalt  }
0x75: {  	_ =	shalt  }
0x76: {  	_ =	shalt  }
0x77: {  	_ =	shalt  }
0x78: {  	_ =	shalt  }
0x79: {  	_ =	shalt  }
0x7a: {  	_ =	shalt  }
0x7b: {  	_ =	shalt  }
0x7c: {  	_ =	shalt  }
0x7d: {  	_ =	shalt  }
0x7e: {  	_ =	shalt  }
0x7f: {  	_ =	shalt  }
0x80: {  	_ =	shalt  }
0x81: {  	_ =	shalt  }
0x82: {  	_ =	shalt  }
0x83: {  	_ =	shalt  }
0x84: {  	_ =	shalt  }
0x85: {  	_ =	shalt  }
0x86: {  	_ =	shalt  }
0x87: {  	_ =	shalt  }
.Lfunc_end0:
.L_simem_size_0:
called_computation_lowered:
.L_overlay_start_0:
0x88: {  	s2 =	sld [smem:$0x3FD9]  }
0x89: {  	s3 =	sld [smem:$0x3FFE];
	_ =	sdelay $0x1  }
0x8a: {  	s1 =	srdreg.scid  }
0x8b: {  	s0 =	sand.u32 $0x1, s1  }
0x8c: {  	s17 =	sshll.u32 s0, $0xA;
	s2 =	sadd.s32 s3, s2  }
0x8d: {  	s2 =	sadd.s32 s2, s17  }
0x8e: {  	[smem:$0x3FBE] =	sst s2  }
0x8f: {  	_ = 	snop  }
0x90: {  	s2 =	sld [smem:$0x3FC9]  }
0x91: {  	s18 =	sld [smem:$0x3FC8];
	(tm) =	ssettm $0x1  }
0x92: {  	s4 =	sld [smem:$0x3FFB];
	_ =	sdelay $0x3  }
0x93: {  	_ =	strace s4  }
0x94: {  	s4 =	sld [smem:$0x3FFC];
	_ =	sdelay $0x3  }
0x95: {  	_ =	strace s4  }
0x96: {  	s4 =	sld [smem:$0x3FFD];
	_ =	sdelay $0x3  }
0x97: {  	_ =	strace s4  }
0x98: {  	_ =	strace $0x8FFFFFFF  }
0x99: {  	s19 =	sld [smem:$0x3FDB];
	_ =	sdelay $0x1  }
0x9a: {  	s5 =	simm.s32 $_scs_section_size  }
0x9b: {  	s6 =	simm.s32 $_size__tile_overlayer_lowered;
	s7 =	simm.s32 $_tile_overlayer_lowered  }
0x9c: {  	s22 =	simm.s32 $0x1BFF;
	s21 =	sshll.u32 s7, $0x1;
	s4 =	sadd.s32 s5, s19  }
0x9d: {  	s8 =	simm.s32 $0x0;
	s20 =	sshll.u32 s6, $0x1;
	s6 =	sadd.s32 s21, s4  }
0x9e: {  	[timem:s8], [sflag:s22] =	dma.local [hbm:s6], s20  }
0x9f: {  	_ =	swait.ge [sflag:s22], s20  }
0xa0: {  	s5 =	ssub.s32 $0x0, s20;
	[sflag:s22] =	ssyncset.done $0x0  }
0xa1: {  	[sflag:s22] =	ssyncadd.s32 s5;
	_ =	sdelay $0x1  }
0xa2: {  	s23 =	simm.s32 $0x1B8B  }
0xa3: {  	_ =	swait.ge [sflag:s23], $0x1  }
0xa4: {  	[sflag:s23] =	ssyncset.done $0x0  }
0xa5: {  	s25 =	simm.s32 $0x1B8E;
	s24 =	sld [smem:$0x3FFE];
	[sflag:s23] =	ssyncadd.s32 $0xFFFFFFFF  }
0xa6: {  	s26 =	simm.s32 $execute0_lowered;
	[smem:$0x3FD2] =	sst s25  }
0xa7: {  	s6 =	sshll.u32 s26, $0x1;
	_ =	strace $0x80000046;
	[dreg:$0x1] =	wrdreg $0xFFFFFFFF  }
0xa8: {  	s28 =	simm.s32 $_size_execute0_lowered;
	s4 =	sadd.s32 s4, s6;
	[dreg:$0x0] =	wrdreg $0x0  }
0xa9: {  	s6 =	sshll.u32 s28, $0x1;
	[dreg:$0x2] =	wrdreg s4  }
0xaa: {  	[dreg:$0x3] =	wrdreg s6  }
0xab: {  	[dreg:$0x4] =	wrdreg $0xC0  }
0xac: {  	_ =	task [dreg:s8], $0x5FFFF  }
0xad: {  	[dreg:$0x1] =	wrdreg $0xFFFFFFFF  }
0xae: {  	[dreg:$0x0] =	wrdreg $0x60  }
0xaf: {  	[dreg:$0x2] =	wrdreg s18  }
0xb0: {  	[dreg:$0x3] =	wrdreg s24  }
0xb1: {  	[dreg:$0x4] =	wrdreg s2  }
0xb2: {  	[dreg:$0x5] =	wrdreg $0x9  }
0xb3: {  	_ =	task.clear_ibuf [dreg:s8], $0x6FFFF;
	_ =	strace $0x90000046  }
0xb4: {  	s29 =	simm.s32 $0x9;
	_ =	strace $0x80000048  }
0xb5: {  	_ =	swait.ge [sflag:s29], $0x1  }
0xb6: {  	[sflag:s29] =	ssyncadd.s32 $0xFFFFFFFF  }
0xb7: {  	_ =	strace $0x90000048  }
0xb8: {  	_ =	sfence  }
0xb9: {  	s30 =	sld [smem:$0x0];
	_ =	sdelay $0x2  }
0xba: {  	s31 =	sshll.u32 s1, $0xD;
	s1 =	sshrl.u32 s1, $0x2  }
0xbb: {  	s3 =	sand.u32 $0x4000, s31;
	s1 =	sadd.s32 s1, s30  }
0xbc: {  	s0 =	sor.u32 s3, s0;
	s1 =	sshll.u32 s1, $0x11  }
0xbd: {  	s0 =	sor.u32 s1, s0  }
0xbe: {  	s0 =	sadd.s32 $0x8F2B, s0  }
0xbf: {  	[sflag:s0] =	ssyncadd.remote.s32 $0x1  }
0xc0: {  	_ =	sfence.sel $0xFFFF  }
0xc1: {  	[dreg:$0x0] =	wrdreg $0xFFFFFFFF;
	(pc) =	sbr.abs _section_cstart, $3  }
0xc2: {  	[dreg:$0x1] =	wrdreg $0xFFFFFFFF  }
0xc3: {  	_ =	task.clear_ibuf [dreg:s8], $0x2FFFF;
	_ =	strace $0x9FFFFFFF  }
0xc4: {  	(tm) =	ssettm $0x7FFFFFFF  }
0xc5: {  	_ =	shalt  }
tec
execute0_lowered:
.L_overlay_start_1:
0x0: {  	(tag) =	ssettag $0x1  }
0x1: {  	s0 =	srdreg.scid  }
0x2: {  	s10 =	stileid.u32;
	s3 =	rddreg [dreg:$0x1]  }
0x3: {  	s4 =	rddreg [dreg:$0x2];
	s5 =	simm.s32 $0x0;
	s8 =	simm.s32 $0x0  }
0x4: {  	s0 =	sand.u32 $0x1, s0;
	s2 =	sshrl.u32 s10, $0x3;
	s15 =	sand.u32 $0x7, s10  }
0x5: {  	[smem:$0x7FF] =	sst s5;
	p0 =	slt.u32 s10, $0x8;
	s10 =	sshll.u32 s10, $0x7  }
0x6: {  	s11 =	sadd.s32 $0x1800, s4;
	s12 =	sadd.s32 $0x2000, s4;
	s14 =	sadd.s32 $0x3000, s4  }
0x7: {  	s1 =	sshll.u32 s0, $0x1;
	s13 =	sshll.u32 s15, $0x7;
	_ =	strace $0x80000047  }
0x8: {  	s17 =	sshll.u32 s15, $0x4;
	s20 =	ssub.s32 $0x2, s0;
	s1 =	sor.u32 s2, s1  }
0x9: {  	s8 =	simm.s32 @!p0 $0xC3800;
	s7 =	sshrl.u32 s20, $0x1;
	s6 =	smul.u32 $0xC3800, s1  }
0xa: {  	s21 =	sand.u32 $0x380, s10;
	s10 =	sadd.s32 $0x1000, s4;
	s18 =	ssub.s32 s20, s7  }
0xb: {  	s7 =	sor.u32 s21, s8;
	s8 =	sadd.s32 $0x800, s4;
	s6 =	sor.u32 s13, s6  }
0xc: {  	s22 =	sshll.u32 s1, $0x11;
	s18 =	smax.u32 s18, $0x1;
	s6 =	sshrl.u32 s6, $0x3  }
0xd: {  	s16 =	sadd.s32 s6, s3;
	s6 =	smul.u32 $0x1A, s0;
	s0 =	sor.u32 s13, s22  }
0xe: {  	[dreg:$0xe] =	wrdreg s18;
	s0 =	sshrl.u32 s0, $0x3;
	s16 =	sadd.s32 $0x1400, s16  }
0xf: {  	s9 =	sadd.s32 s17, s3;
	[dreg:$0x5] =	wrdreg s16;
	s24 =	sadd.s32 s0, s8  }
0x10: {  	s3 =	sadd.s32 $0x63000, s3;
	s20 =	sadd.s32 s0, s10;
	[dreg:$0x6] =	wrdreg s24  }
0x11: {  	s13 =	sadd.s32 $0x2800, s4;
	s25 =	sadd.s32 s0, s11;
	[dreg:$0x8] =	wrdreg s20  }
0x12: {  	s16 =	sadd.s32 s3, s0;
	s26 =	sadd.s32 s0, s12;
	[dreg:$0x9] =	wrdreg s25  }
0x13: {  	s3 =	sadd.s32 s3, s17;
	s17 =	sadd.s32 s0, s13;
	[dreg:$0xb] =	wrdreg s26  }
0x14: {  	s23 =	sadd.s32 s4, s0;
	s0 =	sadd.s32 s0, s14;
	[dreg:$0xc] =	wrdreg s17  }
0x15: {  	s28 =	simm.s32 $0x2;
	s29 =	simm.s32 $0x19F00;
	[dreg:$0xd] =	wrdreg s0  }
0x16: {  	s19 =	sshll.u32 s1, $0x3;
	s1 =	sshll.u32 s1, $0xE;
	[dreg:$0x4] =	wrdreg s23  }
0x17: {  	s15 =	sor.u32 s15, s19;
	s19 =	sadd.s32 $0x3800, s23;
	[dreg:$0x7] =	wrdreg s16  }
0x18: {  	s30 =	simm.s32 $0x3;
	s1 =	sadd.s32 s1, s3;
	[dreg:$0xf] =	wrdreg s19  }
0x19: {  	s31 =	simm.s32 $0x4;
	s20 =	sadd.s32 $0x800, s1;
	[dreg:$0xa] =	wrdreg s1  }
0x1a: {  	s9 =	sadd.s32 $0x73000, s9;
	s21 =	sadd.s32 $0x1000, s1;
	[dreg:$0x10] =	wrdreg s20  }
0x1b: {  	p0 =	sgt.u32 s15, $0x19;
	s22 =	sadd.s32 $0x1800, s1;
	[dreg:$0x11] =	wrdreg s21  }
0x1c: {  	s17 =	simm.s32 $0x80;
	s23 =	sadd.s32 $0x2000, s1;
	[dreg:$0x12] =	wrdreg s22  }
.Ltmp0:
0x1d: {  	s24 =	sadd.s32 $0x2800, s1;
	[dreg:$0x13] =	wrdreg s23;
	(pc) =	sbr.rel .LBB2_1-.Ltmp0, $4  }
0x1e: {  	s3 =	simm.s32 $0x0;
	s25 =	sadd.s32 $0x3000, s1;
	[dreg:$0x14] =	wrdreg s24  }
0x1f: {  	s26 =	sadd.s32 $0x3800, s1;
	s19 =	simm.s32 $0x400;
	[dreg:$0x15] =	wrdreg s25  }
0x20: {  	[dreg:$0x16] =	wrdreg s26;
	s20 =	simm.s32 $0x18700;
	s22 =	simm.s32 $0x5  }
0x21: {  	v0 =	vimm.f32 $0.0e+00;
	s23 =	simm.s32 $0x1;
	s24 =	simm.s32 $0x18F00;
	s26 =	simm.s32 $0x19700  }
.LBB2_40:
0x22: {  	_ =	swait.ge [sflag:s0], $0x800  }
0x23: {  	s3 =	sadd.s32 $0x1, s3;
	s1 =	rddreg [dreg:$0xe]  }
0x24: {  	p1 =	sne.s32 s3, s1  }
.Ltmp1:
0x25: {  	_ = 	snop;
	(pc) =	sbr.rel @!p1 .LBB2_41-.Ltmp1, $3  }
0x26: {  	_ =	sdelay $0x1  }
0x27: {  	[sflag:s0] =	ssyncset.done $0x0  }
0x28: {  	[sflag:s0] =	ssyncadd.s32 $0xFFFFF800  }
.LBB2_1:
0x29: {  	[dreg:$0x17] =	wrdreg s3;
	s0 =	simm.s32 $0x0  }
.LBB2_2:
0x2a: {  	s1 =	sshll.u32 s0, $0x1  }
0x2b: {  	s16 =	sadd.s32 s6, s1  }
0x2c: {  	s15 =	sshll.u32 s16, $0xD;
	s1 =	sshll.u32 s16, $0x6  }
0x2d: {  	s3 =	sand.u32 $0x60000, s15;
	s21 =	sand.u32 $0x380, s1  }
0x2e: {  	s1 =	sor.u32 s21, s3  }
0x2f: {  	s3 =	sshrl.u32 s16, $0x1;
	s25 =	sshrl.u32 s1, $0x3  }
0x30: {  	s1 =	smul.u32 $0x187000, s3;
	s18 =	sadd.s32 s4, s25  }
0x31: {  	[tilespmem:s20], [sflag:$0x1] =	stream.strided.gather [hbm4b:s18+s17], $0x800, s19, s17, $0x38;
	[tilespmem:$0x1A700] =	vst v63  }
0x32: {  	s1 =	sadd.s32 s7, s1  }
0x33: {  	s18 =	rddreg [dreg:$0x0];
	s1 =	sshrl.u32 s1, $0x3  }
0x34: {  	s1 =	sadd.s32 s18, s1;
	s18 =	simm.s32 $0x0  }
0x35: {  	[tilespmem:s18], [sflag:$0x5] =	stream.strided.gather [hbm4b:s1+s17], $0x18700, s19, s17, $0x38;
	[tilespmem:$0x1A700] =	vst v63  }
0x36: {  	_ =	swait.ge [sflag:s22], $0x18700  }
0x37: {  	[sflag:s22] =	ssyncset.done $0x0  }
0x38: {  	[sflag:s22] =	ssyncadd.s32 $0xFFFE7900  }
0x39: {  	_ =	swait.ge [sflag:s23], $0x800  }
0x3a: {  	[sflag:s23] =	ssyncset.done $0x0  }
0x3b: {  	s18 =	sadd.s32 s25, s8;
	[sflag:s23] =	ssyncadd.s32 $0xFFFFF800  }
0x3c: {  	[tilespmem:s24], [sflag:$0x2] =	stream.strided.gather [hbm4b:s18+s17], $0x800, s19, s17, $0x38;
	[tilespmem:$0x1A700] =	vst v63  }
0x3d: {  	s18 =	simm.s32 $0x0  }
0x3e: {  	v1 =	vld [tilespmem:s18+$0x18700];
	_ =	sdelay $0x7  }
0x3f: {  	s3 =	simm.s32 $0x10;
	s1 =	simm.s32 $0x80;
	v1 =	vld.idx.msk [tilespmem:v1+s5+$0x0], $0xffff  }
.LBB2_3:
0x40: {  	p1 =	sne.s32 s1, $0x1FC0;
	v2 =	vld [tilespmem:s3+$0x18700];
	_ =	sdelay $0x3  }
.Ltmp2:
0x41: {  	(pc) =	sbr.rel @p1 .LBB2_3-.Ltmp2, $2  }
0x42: {  	[tilespmem:s18+$0x19700] =	vst v1;
	s18 =	smov.u32 s3;
	_ =	sdelay $0x2  }
0x43: {  	s3 =	sshra.s32 s1, $0x2;
	s1 =	sadd.s32 $0x40, s1;
	v1 =	vld.idx.msk [tilespmem:v2+s5+$0x0], $0xffff  }
0x44: {  	v2 =	vld [tilespmem:s3+$0x18700];
	_ =	sdelay $0x6  }
0x45: {  	[tilespmem:s18+$0x19700] =	vst v1  }
0x46: {  	v1 =	vld.idx.msk [tilespmem:v2+s5+$0x0], $0xffff;
	_ =	sdelay $0x2  }
0x47: {  	s1 =	sor.u32 s2, s16  }
0x48: {  	s1 =	sshll.u32 s1, $0xE  }
0x49: {  	s16 =	sadd.s32 s1, s9;
	[tilespmem:s3+$0x19700] =	vst v1  }
0x4a: {  	[hbm4b:s16+s17] =	stream.strided.scatter [tilespmem:s26], [sflag:$0x3], $0x800, s19, s17, $0x38;
	[tilespmem:$0x1A700] =	vst v63  }
0x4b: {  	_ =	swait.ge [sflag:s28], $0x800  }
0x4c: {  	[sflag:s28] =	ssyncset.done $0x0  }
0x4d: {  	s18 =	sadd.s32 s25, s10;
	[sflag:s28] =	ssyncadd.s32 $0xFFFFF800  }
0x4e: {  	[tilespmem:s20], [sflag:$0x1] =	stream.strided.gather [hbm4b:s18+s17], $0x800, s19, s17, $0x38;
	[tilespmem:$0x1A700] =	vst v63  }
0x4f: {  	s18 =	simm.s32 $0x0  }
0x50: {  	v1 =	vld [tilespmem:s18+$0x18F00];
	_ =	sdelay $0x7  }
0x51: {  	s1 =	simm.s32 $0x80;
	s3 =	simm.s32 $0x10;
	v1 =	vld.idx.msk [tilespmem:v1+s5+$0x0], $0xffff  }
.LBB2_5:
0x52: {  	p1 =	sne.s32 s1, $0x1FC0;
	v2 =	vld [tilespmem:s3+$0x18F00];
	_ =	sdelay $0x3  }
.Ltmp3:
0x53: {  	(pc) =	sbr.rel @p1 .LBB2_5-.Ltmp3, $2  }
0x54: {  	[tilespmem:s18+$0x19F00] =	vst v1;
	s18 =	smov.u32 s3;
	_ =	sdelay $0x2  }
0x55: {  	s3 =	sshra.s32 s1, $0x2;
	s1 =	sadd.s32 $0x40, s1;
	v1 =	vld.idx.msk [tilespmem:v2+s5+$0x0], $0xffff  }
0x56: {  	v2 =	vld [tilespmem:s3+$0x18F00];
	_ =	sdelay $0x6  }
0x57: {  	[tilespmem:s18+$0x19F00] =	vst v1  }
0x58: {  	v1 =	vld.idx.msk [tilespmem:v2+s5+$0x0], $0xffff;
	_ =	sdelay $0x4  }
0x59: {  	s1 =	sadd.s32 $0x800, s16;
	[tilespmem:s3+$0x19F00] =	vst v1  }
0x5a: {  	[hbm4b:s1+s17] =	stream.strided.scatter [tilespmem:s29], [sflag:$0x4], $0x800, s19, s17, $0x38;
	[tilespmem:$0x1A700] =	vst v63  }
0x5b: {  	_ =	swait.ge [sflag:s23], $0x800  }
0x5c: {  	[sflag:s23] =	ssyncset.done $0x0  }
0x5d: {  	s18 =	sadd.s32 s25, s11;
	[sflag:s23] =	ssyncadd.s32 $0xFFFFF800  }
0x5e: {  	[tilespmem:s24], [sflag:$0x2] =	stream.strided.gather [hbm4b:s18+s17], $0x800, s19, s17, $0x38;
	[tilespmem:$0x1A700] =	vst v63  }
0x5f: {  	_ =	swait.ge [sflag:s30], $0x800  }
0x60: {  	[sflag:s30] =	ssyncset.done $0x0  }
0x61: {  	s18 =	simm.s32 $0x0;
	[sflag:s30] =	ssyncadd.s32 $0xFFFFF800  }
0x62: {  	v1 =	vld [tilespmem:s18+$0x18700];
	_ =	sdelay $0x7  }
0x63: {  	s3 =	simm.s32 $0x10;
	s1 =	simm.s32 $0x80;
	v1 =	vld.idx.msk [tilespmem:v1+s5+$0x0], $0xffff  }
.LBB2_7:
0x64: {  	p1 =	sne.s32 s1, $0x1FC0;
	v2 =	vld [tilespmem:s3+$0x18700];
	_ =	sdelay $0x3  }
.Ltmp4:
0x65: {  	(pc) =	sbr.rel @p1 .LBB2_7-.Ltmp4, $2  }
0x66: {  	[tilespmem:s18+$0x19700] =	vst v1;
	s18 =	smov.u32 s3;
	_ =	sdelay $0x2  }
0x67: {  	s3 =	sshra.s32 s1, $0x2;
	s1 =	sadd.s32 $0x40, s1;
	v1 =	vld.idx.msk [tilespmem:v2+s5+$0x0], $0xffff  }
0x68: {  	v2 =	vld [tilespmem:s3+$0x18700];
	_ =	sdelay $0x6  }
0x69: {  	[tilespmem:s18+$0x19700] =	vst v1  }
0x6a: {  	v1 =	vld.idx.msk [tilespmem:v2+s5+$0x0], $0xffff;
	_ =	sdelay $0x4  }
0x6b: {  	s1 =	sadd.s32 $0x1000, s16;
	[tilespmem:s3+$0x19700] =	vst v1  }
0x6c: {  	[hbm4b:s1+s17] =	stream.strided.scatter [tilespmem:s26], [sflag:$0x3], $0x800, s19, s17, $0x38;
	[tilespmem:$0x1A700] =	vst v63  }
0x6d: {  	_ =	swait.ge [sflag:s28], $0x800  }
0x6e: {  	[sflag:s28] =	ssyncset.done $0x0  }
0x6f: {  	s18 =	sadd.s32 s25, s12;
	[sflag:s28] =	ssyncadd.s32 $0xFFFFF800  }
0x70: {  	[tilespmem:s20], [sflag:$0x1] =	stream.strided.gather [hbm4b:s18+s17], $0x800, s19, s17, $0x38;
	[tilespmem:$0x1A700] =	vst v63  }
0x71: {  	_ =	swait.ge [sflag:s31], $0x800  }
0x72: {  	[sflag:s31] =	ssyncset.done $0x0  }
0x73: {  	s18 =	simm.s32 $0x0;
	[sflag:s31] =	ssyncadd.s32 $0xFFFFF800  }
0x74: {  	v1 =	vld [tilespmem:s18+$0x18F00];
	_ =	sdelay $0x7  }
0x75: {  	s3 =	simm.s32 $0x10;
	s1 =	simm.s32 $0x80;
	v1 =	vld.idx.msk [tilespmem:v1+s5+$0x0], $0xffff  }
.LBB2_9:
0x76: {  	p1 =	sne.s32 s1, $0x1FC0;
	v2 =	vld [tilespmem:s3+$0x18F00];
	_ =	sdelay $0x3  }
.Ltmp5:
0x77: {  	(pc) =	sbr.rel @p1 .LBB2_9-.Ltmp5, $2  }
0x78: {  	[tilespmem:s18+$0x19F00] =	vst v1;
	s18 =	smov.u32 s3;
	_ =	sdelay $0x2  }
0x79: {  	s3 =	sshra.s32 s1, $0x2;
	s1 =	sadd.s32 $0x40, s1;
	v1 =	vld.idx.msk [tilespmem:v2+s5+$0x0], $0xffff  }
0x7a: {  	v2 =	vld [tilespmem:s3+$0x18F00];
	_ =	sdelay $0x6  }
0x7b: {  	[tilespmem:s18+$0x19F00] =	vst v1  }
0x7c: {  	v1 =	vld.idx.msk [tilespmem:v2+s5+$0x0], $0xffff;
	_ =	sdelay $0x4  }
0x7d: {  	s1 =	sadd.s32 $0x1800, s16;
	[tilespmem:s3+$0x19F00] =	vst v1  }
0x7e: {  	[hbm4b:s1+s17] =	stream.strided.scatter [tilespmem:s29], [sflag:$0x4], $0x800, s19, s17, $0x38;
	[tilespmem:$0x1A700] =	vst v63  }
0x7f: {  	_ =	swait.ge [sflag:s23], $0x800  }
0x80: {  	[sflag:s23] =	ssyncset.done $0x0  }
0x81: {  	s18 =	sadd.s32 s25, s13;
	[sflag:s23] =	ssyncadd.s32 $0xFFFFF800  }
0x82: {  	[tilespmem:s24], [sflag:$0x2] =	stream.strided.gather [hbm4b:s18+s17], $0x800, s19, s17, $0x38;
	[tilespmem:$0x1A700] =	vst v63  }
0x83: {  	_ =	swait.ge [sflag:s30], $0x800  }
0x84: {  	[sflag:s30] =	ssyncset.done $0x0  }
0x85: {  	s18 =	simm.s32 $0x0;
	[sflag:s30] =	ssyncadd.s32 $0xFFFFF800  }
0x86: {  	v1 =	vld [tilespmem:s18+$0x18700];
	_ =	sdelay $0x7  }
0x87: {  	s3 =	simm.s32 $0x10;
	s1 =	simm.s32 $0x80;
	v1 =	vld.idx.msk [tilespmem:v1+s5+$0x0], $0xffff  }
.LBB2_11:
0x88: {  	p1 =	sne.s32 s1, $0x1FC0;
	v2 =	vld [tilespmem:s3+$0x18700];
	_ =	sdelay $0x3  }
.Ltmp6:
0x89: {  	(pc) =	sbr.rel @p1 .LBB2_11-.Ltmp6, $2  }
0x8a: {  	[tilespmem:s18+$0x19700] =	vst v1;
	s18 =	smov.u32 s3;
	_ =	sdelay $0x2  }
0x8b: {  	s3 =	sshra.s32 s1, $0x2;
	s1 =	sadd.s32 $0x40, s1;
	v1 =	vld.idx.msk [tilespmem:v2+s5+$0x0], $0xffff  }
0x8c: {  	v2 =	vld [tilespmem:s3+$0x18700];
	_ =	sdelay $0x6  }
0x8d: {  	[tilespmem:s18+$0x19700] =	vst v1  }
0x8e: {  	v1 =	vld.idx.msk [tilespmem:v2+s5+$0x0], $0xffff;
	_ =	sdelay $0x4  }
0x8f: {  	s1 =	sadd.s32 $0x2000, s16;
	[tilespmem:s3+$0x19700] =	vst v1  }
0x90: {  	[hbm4b:s1+s17] =	stream.strided.scatter [tilespmem:s26], [sflag:$0x3], $0x800, s19, s17, $0x38;
	[tilespmem:$0x1A700] =	vst v63  }
0x91: {  	_ =	swait.ge [sflag:s28], $0x800  }
0x92: {  	[sflag:s28] =	ssyncset.done $0x0  }
0x93: {  	s25 =	sadd.s32 s25, s14;
	[sflag:s28] =	ssyncadd.s32 $0xFFFFF800  }
0x94: {  	[tilespmem:s20], [sflag:$0x1] =	stream.strided.gather [hbm4b:s25+s17], $0x800, s19, s17, $0x38;
	[tilespmem:$0x1A700] =	vst v63  }
0x95: {  	_ =	swait.ge [sflag:s31], $0x800  }
0x96: {  	[sflag:s31] =	ssyncset.done $0x0  }
0x97: {  	s18 =	simm.s32 $0x0;
	[sflag:s31] =	ssyncadd.s32 $0xFFFFF800  }
0x98: {  	v1 =	vld [tilespmem:s18+$0x18F00];
	_ =	sdelay $0x7  }
0x99: {  	s3 =	simm.s32 $0x10;
	s1 =	simm.s32 $0x80;
	v1 =	vld.idx.msk [tilespmem:v1+s5+$0x0], $0xffff  }
.LBB2_13:
0x9a: {  	p1 =	sne.s32 s1, $0x1FC0;
	v2 =	vld [tilespmem:s3+$0x18F00];
	_ =	sdelay $0x3  }
.Ltmp7:
0x9b: {  	(pc) =	sbr.rel @p1 .LBB2_13-.Ltmp7, $2  }
0x9c: {  	[tilespmem:s18+$0x19F00] =	vst v1;
	s18 =	smov.u32 s3;
	_ =	sdelay $0x2  }
0x9d: {  	s3 =	sshra.s32 s1, $0x2;
	s1 =	sadd.s32 $0x40, s1;
	v1 =	vld.idx.msk [tilespmem:v2+s5+$0x0], $0xffff  }
0x9e: {  	v2 =	vld [tilespmem:s3+$0x18F00];
	_ =	sdelay $0x6  }
0x9f: {  	[tilespmem:s18+$0x19F00] =	vst v1  }
0xa0: {  	v1 =	vld.idx.msk [tilespmem:v2+s5+$0x0], $0xffff;
	_ =	sdelay $0x4  }
0xa1: {  	s1 =	sadd.s32 $0x2800, s16;
	s25 =	sor.u32 s15, s21;
	[tilespmem:s3+$0x19F00] =	vst v1  }
0xa2: {  	[hbm4b:s1+s17] =	stream.strided.scatter [tilespmem:s29], [sflag:$0x4], $0x800, s19, s17, $0x38;
	[tilespmem:$0x1A700] =	vst v63  }
0xa3: {  	s1 =	sshrl.u32 s25, $0x3;
	_ =	swait.ge [sflag:s23], $0x800  }
0xa4: {  	s1 =	sor.u32 $0x3800, s1;
	[sflag:s23] =	ssyncset.done $0x0  }
0xa5: {  	s1 =	sadd.s32 s4, s1;
	[sflag:s23] =	ssyncadd.s32 $0xFFFFF800  }
0xa6: {  	[tilespmem:s24], [sflag:$0x2] =	stream.strided.gather [hbm4b:s1+s17], $0x800, s19, s17, $0x38;
	[tilespmem:$0x1A700] =	vst v63  }
0xa7: {  	_ =	swait.ge [sflag:s30], $0x800  }
0xa8: {  	[sflag:s30] =	ssyncset.done $0x0  }
0xa9: {  	s15 =	simm.s32 $0x0;
	[sflag:s30] =	ssyncadd.s32 $0xFFFFF800  }
0xaa: {  	v1 =	vld [tilespmem:s15+$0x18700];
	_ =	sdelay $0x7  }
0xab: {  	s3 =	simm.s32 $0x10;
	s1 =	simm.s32 $0x80;
	v1 =	vld.idx.msk [tilespmem:v1+s5+$0x0], $0xffff  }
.LBB2_15:
0xac: {  	p1 =	sne.s32 s1, $0x1FC0;
	v2 =	vld [tilespmem:s3+$0x18700];
	_ =	sdelay $0x3  }
.Ltmp8:
0xad: {  	(pc) =	sbr.rel @p1 .LBB2_15-.Ltmp8, $2  }
0xae: {  	[tilespmem:s15+$0x19700] =	vst v1;
	s15 =	smov.u32 s3;
	_ =	sdelay $0x2  }
0xaf: {  	s3 =	sshra.s32 s1, $0x2;
	s1 =	sadd.s32 $0x40, s1;
	v1 =	vld.idx.msk [tilespmem:v2+s5+$0x0], $0xffff  }
0xb0: {  	v2 =	vld [tilespmem:s3+$0x18700];
	_ =	sdelay $0x6  }
0xb1: {  	[tilespmem:s15+$0x19700] =	vst v1  }
0xb2: {  	v1 =	vld.idx.msk [tilespmem:v2+s5+$0x0], $0xffff;
	_ =	sdelay $0x4  }
0xb3: {  	s1 =	sadd.s32 $0x3000, s16;
	[tilespmem:s3+$0x19700] =	vst v1  }
0xb4: {  	[hbm4b:s1+s17] =	stream.strided.scatter [tilespmem:s26], [sflag:$0x3], $0x800, s19, s17, $0x38;
	[tilespmem:$0x1A700] =	vst v63  }
0xb5: {  	_ =	swait.ge [sflag:s28], $0x800  }
0xb6: {  	[sflag:s28] =	ssyncset.done $0x0  }
0xb7: {  	[sflag:s28] =	ssyncadd.s32 $0xFFFFF800  }
0xb8: {  	_ =	swait.ge [sflag:s31], $0x800  }
0xb9: {  	[sflag:s31] =	ssyncset.done $0x0  }
0xba: {  	s15 =	simm.s32 $0x0;
	[sflag:s31] =	ssyncadd.s32 $0xFFFFF800  }
0xbb: {  	v1 =	vld [tilespmem:s15+$0x18F00];
	_ =	sdelay $0x7  }
0xbc: {  	s3 =	simm.s32 $0x10;
	s1 =	simm.s32 $0x80;
	v1 =	vld.idx.msk [tilespmem:v1+s5+$0x0], $0xffff  }
.LBB2_17:
0xbd: {  	p1 =	sne.s32 s1, $0x1FC0;
	v2 =	vld [tilespmem:s3+$0x18F00];
	_ =	sdelay $0x3  }
.Ltmp9:
0xbe: {  	(pc) =	sbr.rel @p1 .LBB2_17-.Ltmp9, $2  }
0xbf: {  	[tilespmem:s15+$0x19F00] =	vst v1;
	s15 =	smov.u32 s3;
	_ =	sdelay $0x2  }
0xc0: {  	s3 =	sshra.s32 s1, $0x2;
	s1 =	sadd.s32 $0x40, s1;
	v1 =	vld.idx.msk [tilespmem:v2+s5+$0x0], $0xffff  }
0xc1: {  	v2 =	vld [tilespmem:s3+$0x18F00];
	_ =	sdelay $0x6  }
0xc2: {  	[tilespmem:s15+$0x19F00] =	vst v1  }
0xc3: {  	v1 =	vld.idx.msk [tilespmem:v2+s5+$0x0], $0xffff;
	_ =	sdelay $0x4  }
0xc4: {  	s1 =	sadd.s32 $0x3800, s16;
	s0 =	sadd.s32 $0x1, s0;
	[tilespmem:s3+$0x19F00] =	vst v1  }
0xc5: {  	[hbm4b:s1+s17] =	stream.strided.scatter [tilespmem:s29], [sflag:$0x4], $0x800, s19, s17, $0x38;
	[tilespmem:$0x1A700] =	vst v63  }
0xc6: {  	p1 =	sne.s32 s0, $0xD;
	_ =	swait.ge [sflag:s30], $0x800  }
.Ltmp10:
0xc7: {  	[sflag:s30] =	ssyncset.done $0x0;
	(pc) =	sbr.rel @p1 .LBB2_2-.Ltmp10, $4  }
0xc8: {  	[sflag:s30] =	ssyncadd.s32 $0xFFFFF800  }
0xc9: {  	_ =	swait.ge [sflag:s31], $0x800  }
0xca: {  	[sflag:s31] =	ssyncset.done $0x0  }
0xcb: {  	[sflag:s31] =	ssyncadd.s32 $0xFFFFF800  }
.Ltmp11:
0xcc: {  	(pc) =	sbr.rel @p0 .LBB2_37-.Ltmp11, $2  }
0xcd: {  	_ =	sdelay $0x2  }
0xce: {  	s0 =	simm.s32 $0x0  }
0xcf: {  	s1 =	rddreg [dreg:$0x4]  }
0xd0: {  	[tilespmem:s20], [sflag:$0x1] =	stream.strided.gather [hbm4b:s1+s17], $0x800, s19, s17, $0x38;
	[tilespmem:$0x1A700] =	vst v63  }
0xd1: {  	s21 =	rddreg [dreg:$0x5]  }
0xd2: {  	[tilespmem:s0], [sflag:$0x5] =	stream.strided.gather [hbm4b:s21+s17], $0x18700, s19, s17, $0x38;
	[tilespmem:$0x1A700] =	vst v63  }
0xd3: {  	_ =	swait.ge [sflag:s22], $0x18700  }
0xd4: {  	[sflag:s22] =	ssyncset.done $0x0  }
0xd5: {  	[sflag:s22] =	ssyncadd.s32 $0xFFFE7900  }
0xd6: {  	_ =	swait.ge [sflag:s23], $0x800  }
0xd7: {  	[sflag:s23] =	ssyncset.done $0x0  }
0xd8: {  	s0 =	simm.s32 $0x0;
	s25 =	rddreg [dreg:$0x6];
	[sflag:s23] =	ssyncadd.s32 $0xFFFFF800  }
0xd9: {  	[tilespmem:s24], [sflag:$0x2] =	stream.strided.gather [hbm4b:s25+s17], $0x800, s19, s17, $0x38;
	[tilespmem:$0x1A700] =	vst v63  }
0xda: {  	v1 =	vld [tilespmem:s0+$0x18700];
	_ =	sdelay $0x7  }
0xdb: {  	s3 =	simm.s32 $0x10;
	s1 =	simm.s32 $0x80;
	s16 =	rddreg [dreg:$0x7];
	v1 =	vld.idx.msk [tilespmem:v1+s5+$0x0], $0xffff  }
.LBB2_21:
0xdc: {  	p1 =	sne.s32 s1, $0x1FC0;
	v2 =	vld [tilespmem:s3+$0x18700];
	_ =	sdelay $0x3  }
.Ltmp12:
0xdd: {  	(pc) =	sbr.rel @p1 .LBB2_21-.Ltmp12, $2  }
0xde: {  	[tilespmem:s0+$0x19700] =	vst v1;
	s0 =	smov.u32 s3;
	_ =	sdelay $0x2  }
0xdf: {  	s3 =	sshra.s32 s1, $0x2;
	s1 =	sadd.s32 $0x40, s1;
	v1 =	vld.idx.msk [tilespmem:v2+s5+$0x0], $0xffff  }
0xe0: {  	v2 =	vld [tilespmem:s3+$0x18700];
	_ =	sdelay $0x6  }
0xe1: {  	[tilespmem:s0+$0x19700] =	vst v1  }
0xe2: {  	v1 =	vld.idx.msk [tilespmem:v2+s5+$0x0], $0xffff;
	_ =	sdelay $0x4  }
0xe3: {  	[tilespmem:s3+$0x19700] =	vst v1  }
0xe4: {  	[hbm4b:s16+s17] =	stream.strided.scatter [tilespmem:s26], [sflag:$0x3], $0x800, s19, s17, $0x38;
	[tilespmem:$0x1A700] =	vst v63  }
0xe5: {  	_ =	swait.ge [sflag:s28], $0x800  }
0xe6: {  	[sflag:s28] =	ssyncset.done $0x0  }
0xe7: {  	s0 =	simm.s32 $0x0;
	s25 =	rddreg [dreg:$0x8];
	[sflag:s28] =	ssyncadd.s32 $0xFFFFF800  }
0xe8: {  	[tilespmem:s20], [sflag:$0x1] =	stream.strided.gather [hbm4b:s25+s17], $0x800, s19, s17, $0x38;
	[tilespmem:$0x1A700] =	vst v63  }
0xe9: {  	v1 =	vld [tilespmem:s0+$0x18F00];
	_ =	sdelay $0x7  }
0xea: {  	s1 =	simm.s32 $0x80;
	s3 =	simm.s32 $0x10;
	v1 =	vld.idx.msk [tilespmem:v1+s5+$0x0], $0xffff  }
.LBB2_23:
0xeb: {  	p1 =	sne.s32 s1, $0x1FC0;
	v2 =	vld [tilespmem:s3+$0x18F00];
	_ =	sdelay $0x3  }
.Ltmp13:
0xec: {  	(pc) =	sbr.rel @p1 .LBB2_23-.Ltmp13, $2  }
0xed: {  	[tilespmem:s0+$0x19F00] =	vst v1;
	s0 =	smov.u32 s3;
	_ =	sdelay $0x2  }
0xee: {  	s3 =	sshra.s32 s1, $0x2;
	s1 =	sadd.s32 $0x40, s1;
	v1 =	vld.idx.msk [tilespmem:v2+s5+$0x0], $0xffff  }
0xef: {  	v2 =	vld [tilespmem:s3+$0x18F00];
	_ =	sdelay $0x6  }
0xf0: {  	[tilespmem:s0+$0x19F00] =	vst v1  }
0xf1: {  	v1 =	vld.idx.msk [tilespmem:v2+s5+$0x0], $0xffff;
	_ =	sdelay $0x4  }
0xf2: {  	s21 =	sadd.s32 $0x800, s16;
	[tilespmem:s3+$0x19F00] =	vst v1  }
0xf3: {  	[hbm4b:s21+s17] =	stream.strided.scatter [tilespmem:s29], [sflag:$0x4], $0x800, s19, s17, $0x38;
	[tilespmem:$0x1A700] =	vst v63  }
0xf4: {  	_ =	swait.ge [sflag:s23], $0x800  }
0xf5: {  	[sflag:s23] =	ssyncset.done $0x0  }
0xf6: {  	s25 =	rddreg [dreg:$0x9];
	[sflag:s23] =	ssyncadd.s32 $0xFFFFF800  }
0xf7: {  	[tilespmem:s24], [sflag:$0x2] =	stream.strided.gather [hbm4b:s25+s17], $0x800, s19, s17, $0x38;
	[tilespmem:$0x1A700] =	vst v63  }
0xf8: {  	_ =	swait.ge [sflag:s30], $0x800  }
0xf9: {  	[sflag:s30] =	ssyncset.done $0x0  }
0xfa: {  	s0 =	simm.s32 $0x0;
	[sflag:s30] =	ssyncadd.s32 $0xFFFFF800  }
0xfb: {  	v1 =	vld [tilespmem:s0+$0x18700];
	_ =	sdelay $0x7  }
0xfc: {  	s1 =	simm.s32 $0x80;
	s3 =	simm.s32 $0x10;
	v1 =	vld.idx.msk [tilespmem:v1+s5+$0x0], $0xffff  }
.LBB2_25:
0xfd: {  	p1 =	sne.s32 s1, $0x1FC0;
	v2 =	vld [tilespmem:s3+$0x18700];
	_ =	sdelay $0x3  }
.Ltmp14:
0xfe: {  	(pc) =	sbr.rel @p1 .LBB2_25-.Ltmp14, $2  }
0xff: {  	[tilespmem:s0+$0x19700] =	vst v1;
	s0 =	smov.u32 s3;
	_ =	sdelay $0x2  }
0x100: {  	s3 =	sshra.s32 s1, $0x2;
	s1 =	sadd.s32 $0x40, s1;
	v1 =	vld.idx.msk [tilespmem:v2+s5+$0x0], $0xffff  }
0x101: {  	v2 =	vld [tilespmem:s3+$0x18700];
	_ =	sdelay $0x6  }
0x102: {  	[tilespmem:s0+$0x19700] =	vst v1  }
0x103: {  	v1 =	vld.idx.msk [tilespmem:v2+s5+$0x0], $0xffff;
	_ =	sdelay $0x4  }
0x104: {  	s21 =	sadd.s32 $0x1000, s16;
	[tilespmem:s3+$0x19700] =	vst v1  }
0x105: {  	[hbm4b:s21+s17] =	stream.strided.scatter [tilespmem:s26], [sflag:$0x3], $0x800, s19, s17, $0x38;
	[tilespmem:$0x1A700] =	vst v63  }
0x106: {  	_ =	swait.ge [sflag:s28], $0x800  }
0x107: {  	[sflag:s28] =	ssyncset.done $0x0  }
0x108: {  	s25 =	rddreg [dreg:$0xb];
	[sflag:s28] =	ssyncadd.s32 $0xFFFFF800  }
0x109: {  	[tilespmem:s20], [sflag:$0x1] =	stream.strided.gather [hbm4b:s25+s17], $0x800, s19, s17, $0x38;
	[tilespmem:$0x1A700] =	vst v63  }
0x10a: {  	_ =	swait.ge [sflag:s31], $0x800  }
0x10b: {  	[sflag:s31] =	ssyncset.done $0x0  }
0x10c: {  	s0 =	simm.s32 $0x0;
	[sflag:s31] =	ssyncadd.s32 $0xFFFFF800  }
0x10d: {  	v1 =	vld [tilespmem:s0+$0x18F00];
	_ =	sdelay $0x7  }
0x10e: {  	s1 =	simm.s32 $0x80;
	s3 =	simm.s32 $0x10;
	v1 =	vld.idx.msk [tilespmem:v1+s5+$0x0], $0xffff  }
.LBB2_27:
0x10f: {  	p1 =	sne.s32 s1, $0x1FC0;
	v2 =	vld [tilespmem:s3+$0x18F00];
	_ =	sdelay $0x3  }
.Ltmp15:
0x110: {  	(pc) =	sbr.rel @p1 .LBB2_27-.Ltmp15, $2  }
0x111: {  	[tilespmem:s0+$0x19F00] =	vst v1;
	s0 =	smov.u32 s3;
	_ =	sdelay $0x2  }
0x112: {  	s3 =	sshra.s32 s1, $0x2;
	s1 =	sadd.s32 $0x40, s1;
	v1 =	vld.idx.msk [tilespmem:v2+s5+$0x0], $0xffff  }
0x113: {  	v2 =	vld [tilespmem:s3+$0x18F00];
	_ =	sdelay $0x6  }
0x114: {  	[tilespmem:s0+$0x19F00] =	vst v1  }
0x115: {  	v1 =	vld.idx.msk [tilespmem:v2+s5+$0x0], $0xffff;
	_ =	sdelay $0x4  }
0x116: {  	s21 =	sadd.s32 $0x1800, s16;
	[tilespmem:s3+$0x19F00] =	vst v1  }
0x117: {  	[hbm4b:s21+s17] =	stream.strided.scatter [tilespmem:s29], [sflag:$0x4], $0x800, s19, s17, $0x38;
	[tilespmem:$0x1A700] =	vst v63  }
0x118: {  	_ =	swait.ge [sflag:s23], $0x800  }
0x119: {  	[sflag:s23] =	ssyncset.done $0x0  }
0x11a: {  	s25 =	rddreg [dreg:$0xc];
	[sflag:s23] =	ssyncadd.s32 $0xFFFFF800  }
0x11b: {  	[tilespmem:s24], [sflag:$0x2] =	stream.strided.gather [hbm4b:s25+s17], $0x800, s19, s17, $0x38;
	[tilespmem:$0x1A700] =	vst v63  }
0x11c: {  	_ =	swait.ge [sflag:s30], $0x800  }
0x11d: {  	[sflag:s30] =	ssyncset.done $0x0  }
0x11e: {  	s0 =	simm.s32 $0x0;
	[sflag:s30] =	ssyncadd.s32 $0xFFFFF800  }
0x11f: {  	v1 =	vld [tilespmem:s0+$0x18700];
	_ =	sdelay $0x7  }
0x120: {  	s1 =	simm.s32 $0x80;
	s3 =	simm.s32 $0x10;
	v1 =	vld.idx.msk [tilespmem:v1+s5+$0x0], $0xffff  }
.LBB2_29:
0x121: {  	p1 =	sne.s32 s1, $0x1FC0;
	v2 =	vld [tilespmem:s3+$0x18700];
	_ =	sdelay $0x3  }
.Ltmp16:
0x122: {  	(pc) =	sbr.rel @p1 .LBB2_29-.Ltmp16, $2  }
0x123: {  	[tilespmem:s0+$0x19700] =	vst v1;
	s0 =	smov.u32 s3;
	_ =	sdelay $0x2  }
0x124: {  	s3 =	sshra.s32 s1, $0x2;
	s1 =	sadd.s32 $0x40, s1;
	v1 =	vld.idx.msk [tilespmem:v2+s5+$0x0], $0xffff  }
0x125: {  	v2 =	vld [tilespmem:s3+$0x18700];
	_ =	sdelay $0x6  }
0x126: {  	[tilespmem:s0+$0x19700] =	vst v1  }
0x127: {  	v1 =	vld.idx.msk [tilespmem:v2+s5+$0x0], $0xffff;
	_ =	sdelay $0x4  }
0x128: {  	s21 =	sadd.s32 $0x2000, s16;
	[tilespmem:s3+$0x19700] =	vst v1  }
0x129: {  	[hbm4b:s21+s17] =	stream.strided.scatter [tilespmem:s26], [sflag:$0x3], $0x800, s19, s17, $0x38;
	[tilespmem:$0x1A700] =	vst v63  }
0x12a: {  	_ =	swait.ge [sflag:s28], $0x800  }
0x12b: {  	[sflag:s28] =	ssyncset.done $0x0  }
0x12c: {  	s25 =	rddreg [dreg:$0xd];
	[sflag:s28] =	ssyncadd.s32 $0xFFFFF800  }
0x12d: {  	[tilespmem:s20], [sflag:$0x1] =	stream.strided.gather [hbm4b:s25+s17], $0x800, s19, s17, $0x38;
	[tilespmem:$0x1A700] =	vst v63  }
0x12e: {  	_ =	swait.ge [sflag:s31], $0x800  }
0x12f: {  	[sflag:s31] =	ssyncset.done $0x0  }
0x130: {  	s0 =	simm.s32 $0x0;
	[sflag:s31] =	ssyncadd.s32 $0xFFFFF800  }
0x131: {  	v1 =	vld [tilespmem:s0+$0x18F00];
	_ =	sdelay $0x7  }
0x132: {  	s1 =	simm.s32 $0x80;
	s3 =	simm.s32 $0x10;
	v1 =	vld.idx.msk [tilespmem:v1+s5+$0x0], $0xffff  }
.LBB2_31:
0x133: {  	p1 =	sne.s32 s1, $0x1FC0;
	v2 =	vld [tilespmem:s3+$0x18F00];
	_ =	sdelay $0x3  }
.Ltmp17:
0x134: {  	(pc) =	sbr.rel @p1 .LBB2_31-.Ltmp17, $2  }
0x135: {  	[tilespmem:s0+$0x19F00] =	vst v1;
	s0 =	smov.u32 s3;
	_ =	sdelay $0x2  }
0x136: {  	s3 =	sshra.s32 s1, $0x2;
	s1 =	sadd.s32 $0x40, s1;
	v1 =	vld.idx.msk [tilespmem:v2+s5+$0x0], $0xffff  }
0x137: {  	v2 =	vld [tilespmem:s3+$0x18F00];
	_ =	sdelay $0x6  }
0x138: {  	[tilespmem:s0+$0x19F00] =	vst v1  }
0x139: {  	v1 =	vld.idx.msk [tilespmem:v2+s5+$0x0], $0xffff;
	_ =	sdelay $0x4  }
0x13a: {  	s21 =	sadd.s32 $0x2800, s16;
	[tilespmem:s3+$0x19F00] =	vst v1  }
0x13b: {  	[hbm4b:s21+s17] =	stream.strided.scatter [tilespmem:s29], [sflag:$0x4], $0x800, s19, s17, $0x38;
	[tilespmem:$0x1A700] =	vst v63  }
0x13c: {  	_ =	swait.ge [sflag:s23], $0x800  }
0x13d: {  	[sflag:s23] =	ssyncset.done $0x0  }
0x13e: {  	s25 =	rddreg [dreg:$0xf];
	[sflag:s23] =	ssyncadd.s32 $0xFFFFF800  }
0x13f: {  	[tilespmem:s24], [sflag:$0x2] =	stream.strided.gather [hbm4b:s25+s17], $0x800, s19, s17, $0x38;
	[tilespmem:$0x1A700] =	vst v63  }
0x140: {  	_ =	swait.ge [sflag:s30], $0x800  }
0x141: {  	[sflag:s30] =	ssyncset.done $0x0  }
0x142: {  	s0 =	simm.s32 $0x0;
	[sflag:s30] =	ssyncadd.s32 $0xFFFFF800  }
0x143: {  	v1 =	vld [tilespmem:s0+$0x18700];
	_ =	sdelay $0x7  }
0x144: {  	s1 =	simm.s32 $0x80;
	s3 =	simm.s32 $0x10;
	v1 =	vld.idx.msk [tilespmem:v1+s5+$0x0], $0xffff  }
.LBB2_33:
0x145: {  	p1 =	sne.s32 s1, $0x1FC0;
	v2 =	vld [tilespmem:s3+$0x18700];
	_ =	sdelay $0x3  }
.Ltmp18:
0x146: {  	(pc) =	sbr.rel @p1 .LBB2_33-.Ltmp18, $2  }
0x147: {  	[tilespmem:s0+$0x19700] =	vst v1;
	s0 =	smov.u32 s3;
	_ =	sdelay $0x2  }
0x148: {  	s3 =	sshra.s32 s1, $0x2;
	s1 =	sadd.s32 $0x40, s1;
	v1 =	vld.idx.msk [tilespmem:v2+s5+$0x0], $0xffff  }
0x149: {  	v2 =	vld [tilespmem:s3+$0x18700];
	_ =	sdelay $0x6  }
0x14a: {  	[tilespmem:s0+$0x19700] =	vst v1  }
0x14b: {  	v1 =	vld.idx.msk [tilespmem:v2+s5+$0x0], $0xffff;
	_ =	sdelay $0x4  }
0x14c: {  	s25 =	sadd.s32 $0x3000, s16;
	[tilespmem:s3+$0x19700] =	vst v1  }
0x14d: {  	[hbm4b:s25+s17] =	stream.strided.scatter [tilespmem:s26], [sflag:$0x3], $0x800, s19, s17, $0x38;
	[tilespmem:$0x1A700] =	vst v63  }
0x14e: {  	_ =	swait.ge [sflag:s28], $0x800  }
0x14f: {  	[sflag:s28] =	ssyncset.done $0x0  }
0x150: {  	[sflag:s28] =	ssyncadd.s32 $0xFFFFF800  }
0x151: {  	_ =	swait.ge [sflag:s31], $0x800  }
0x152: {  	[sflag:s31] =	ssyncset.done $0x0  }
0x153: {  	s0 =	simm.s32 $0x0;
	[sflag:s31] =	ssyncadd.s32 $0xFFFFF800  }
0x154: {  	v1 =	vld [tilespmem:s0+$0x18F00];
	_ =	sdelay $0x7  }
0x155: {  	s1 =	simm.s32 $0x80;
	s3 =	simm.s32 $0x10;
	v1 =	vld.idx.msk [tilespmem:v1+s5+$0x0], $0xffff  }
.LBB2_35:
0x156: {  	p1 =	sne.s32 s1, $0x1FC0;
	v2 =	vld [tilespmem:s3+$0x18F00];
	_ =	sdelay $0x3  }
.Ltmp19:
0x157: {  	(pc) =	sbr.rel @p1 .LBB2_35-.Ltmp19, $2  }
0x158: {  	[tilespmem:s0+$0x19F00] =	vst v1;
	s0 =	smov.u32 s3;
	_ =	sdelay $0x2  }
0x159: {  	s3 =	sshra.s32 s1, $0x2;
	s1 =	sadd.s32 $0x40, s1;
	v1 =	vld.idx.msk [tilespmem:v2+s5+$0x0], $0xffff  }
0x15a: {  	v2 =	vld [tilespmem:s3+$0x18F00];
	_ =	sdelay $0x6  }
0x15b: {  	[tilespmem:s0+$0x19F00] =	vst v1  }
0x15c: {  	v1 =	vld.idx.msk [tilespmem:v2+s5+$0x0], $0xffff;
	_ =	sdelay $0x4  }
.Ltmp20:
0x15d: {  	s25 =	sadd.s32 $0x3800, s16;
	[tilespmem:s3+$0x19F00] =	vst v1;
	(pc) =	sbr.rel .LBB2_40-.Ltmp20, $4  }
0x15e: {  	[hbm4b:s25+s17] =	stream.strided.scatter [tilespmem:s29], [sflag:$0x4], $0x800, s19, s17, $0x38;
	[tilespmem:$0x1A700] =	vst v63  }
0x15f: {  	_ =	swait.ge [sflag:s30], $0x800  }
0x160: {  	[sflag:s30] =	ssyncset.done $0x0  }
0x161: {  	s0 =	simm.s32 $0x4;
	s3 =	rddreg [dreg:$0x17];
	[sflag:s30] =	ssyncadd.s32 $0xFFFFF800  }
.LBB2_37:
0x162: {  	s0 =	simm.s32 $0x40;
	s1 =	simm.s32 $0x0  }
.LBB2_38:
0x163: {  	p1 =	seq.s32 s0, $0x1FC0;
	[tilespmem:s1+$0x19700] =	vst v0;
	s1 =	smov.u32 s0;
	s0 =	sadd.s32 $0x40, s0  }
.Ltmp21:
0x164: {  	(pc) =	sbr.rel @!p1 .LBB2_38-.Ltmp21, $2  }
0x165: {  	_ =	sdelay $0x2  }
0x166: {  	s1 =	sshra.s32 s1, $0x2  }
0x167: {  	[tilespmem:s1+$0x19700] =	vst v0;
	s0 =	rddreg [dreg:$0xa]  }
0x168: {  	[hbm4b:s0+s17] =	stream.strided.scatter [tilespmem:s26], [sflag:$0x5], $0x800, s19, s17, $0x38;
	[tilespmem:$0x1A700] =	vst v63  }
0x169: {  	s0 =	simm.s32 $0x5  }
0x16a: {  	s3 =	rddreg [dreg:$0x17];
	_ =	swait.ge [sflag:s0], $0x800  }
0x16b: {  	[sflag:s0] =	ssyncset.done $0x0  }
0x16c: {  	s21 =	rddreg [dreg:$0x10];
	[sflag:s0] =	ssyncadd.s32 $0xFFFFF800  }
0x16d: {  	[hbm4b:s21+s17] =	stream.strided.scatter [tilespmem:s26], [sflag:$0x5], $0x800, s19, s17, $0x38;
	[tilespmem:$0x1A700] =	vst v63  }
0x16e: {  	_ =	swait.ge [sflag:s0], $0x800  }
0x16f: {  	[sflag:s0] =	ssyncset.done $0x0  }
0x170: {  	s25 =	rddreg [dreg:$0x11];
	[sflag:s0] =	ssyncadd.s32 $0xFFFFF800  }
0x171: {  	[hbm4b:s25+s17] =	stream.strided.scatter [tilespmem:s26], [sflag:$0x5], $0x800, s19, s17, $0x38;
	[tilespmem:$0x1A700] =	vst v63  }
0x172: {  	_ =	swait.ge [sflag:s0], $0x800  }
0x173: {  	[sflag:s0] =	ssyncset.done $0x0  }
0x174: {  	s15 =	rddreg [dreg:$0x12];
	[sflag:s0] =	ssyncadd.s32 $0xFFFFF800  }
0x175: {  	[hbm4b:s15+s17] =	stream.strided.scatter [tilespmem:s26], [sflag:$0x5], $0x800, s19, s17, $0x38;
	[tilespmem:$0x1A700] =	vst v63  }
0x176: {  	_ =	swait.ge [sflag:s0], $0x800  }
0x177: {  	[sflag:s0] =	ssyncset.done $0x0  }
0x178: {  	s16 =	rddreg [dreg:$0x13];
	[sflag:s0] =	ssyncadd.s32 $0xFFFFF800  }
0x179: {  	[hbm4b:s16+s17] =	stream.strided.scatter [tilespmem:s26], [sflag:$0x5], $0x800, s19, s17, $0x38;
	[tilespmem:$0x1A700] =	vst v63  }
0x17a: {  	_ =	swait.ge [sflag:s0], $0x800  }
0x17b: {  	[sflag:s0] =	ssyncset.done $0x0  }
0x17c: {  	s18 =	rddreg [dreg:$0x14];
	[sflag:s0] =	ssyncadd.s32 $0xFFFFF800  }
0x17d: {  	[hbm4b:s18+s17] =	stream.strided.scatter [tilespmem:s26], [sflag:$0x5], $0x800, s19, s17, $0x38;
	[tilespmem:$0x1A700] =	vst v63  }
0x17e: {  	_ =	swait.ge [sflag:s0], $0x800  }
0x17f: {  	[sflag:s0] =	ssyncset.done $0x0  }
0x180: {  	s21 =	rddreg [dreg:$0x15];
	[sflag:s0] =	ssyncadd.s32 $0xFFFFF800  }
0x181: {  	[hbm4b:s21+s17] =	stream.strided.scatter [tilespmem:s26], [sflag:$0x5], $0x800, s19, s17, $0x38;
	[tilespmem:$0x1A700] =	vst v63  }
.Ltmp22:
0x182: {  	_ = 	snop;
	(pc) =	sbr.rel .LBB2_40-.Ltmp22, $4  }
0x183: {  	_ =	swait.ge [sflag:s0], $0x800  }
0x184: {  	[sflag:s0] =	ssyncset.done $0x0  }
0x185: {  	s25 =	rddreg [dreg:$0x16];
	[sflag:s0] =	ssyncadd.s32 $0xFFFFF800  }
0x186: {  	[hbm4b:s25+s17] =	stream.strided.scatter [tilespmem:s26], [sflag:$0x5], $0x800, s19, s17, $0x38;
	[tilespmem:$0x1A700] =	vst v63  }
.LBB2_41:
0x187: {  	_ =	sfence.sel $0x180000  }
0x188: {  	[bflag:$0x0] =	sbarrier.arrive $0xFFFF  }
0x189: {  	_ =	strace $0x90000047  }
0x18a: {  	s0 =	stileid.u32;
	[bflag:$0x2] =	sbarrier.arrive $0xFFFF  }
0x18b: {  	p0 =	sne.s32 s0, $0x0;
	s0 =	rddreg [dreg:$0x3]  }
0x18c: {  	s0 =	sadd.s32 @!p0 $0x100000, s0  }
0x18d: {  	[sflag:s0] =	ssyncadd.tile.s32 @!p0 $0x1;
	_ =	shalt  }
.Lfunc_end2:
_tile_overlayer_lowered:
.L_overlay_start_2:
0x18e: {  	(tag) =	ssettag $0x2  }
0x18f: {  	s0 =	rddreg [dreg:$0x0];
	s2 =	stileid.u32  }
0x190: {  	s1 =	rddreg [dreg:$0x1];
	p0 =	sne.s32 s2, $0x0  }
0x191: {  	s3 =	rddreg [dreg:$0x2];
	[bflag:$0x3] =	sbarrier.arrive $0xFFFF;
	s2 =	simm.s32 @!p0 $0x1C05  }
0x192: {  	[timem:s3], [sflag:s2] =	dma.local @!p0 [hbm:s0], s1  }
0x193: {  	s0 =	simm.s32 @!p0 $0x5  }
0x194: {  	_ =	swait.ge @!p0 [sflag:s0], s1  }
0x195: {  	s1 =	ssub.s32 @!p0 $0x0, s1;
	[sflag:s0] =	ssyncset.done @!p0 $0x0  }
0x196: {  	[sflag:s0] =	ssyncadd.s32 @!p0 s1  }
0x197: {  	[bflag:$0x3] =	sbarrier.arrive $0xFFFF  }
0x198: {  	_ =	shalt  }

</sc_bundles>
